<compile_context>
chip_gen: v7x
topology: tpu7x:2x2x1
jax: 0.10.2.dev20260603
libtpu: 0.0.44.dev20260713+nightly
codegen_flags: <defaults>
</compile_context>

<pallas_src>
import functools

import jax
import jax.numpy as jnp
from jax import lax
from jax.experimental import pallas as pl
from jax.experimental.pallas import tpu as pltpu
from jax.experimental.pallas import tpu_sc as plsc

B, T, D = 16, 4096, 256
OUT_D = D + 2
H = B // 2

_LN2 = 0.6931471805599453
_LOG200 = 5.298317366548036


def _neg_log_over_200(lf):
    bits = lax.bitcast_convert_type(lf, jnp.int32)
    e = ((bits >> 23) & 0xFF) - 127
    m = lax.bitcast_convert_type((bits & 0x007FFFFF) | (127 << 23), jnp.float32)
    s = (m - 1.0) / (m + 1.0)
    s2 = s * s
    ln_m = 2.0 * s * (1.0 + s2 * (1.0 / 3.0 + s2 * (1.0 / 5.0 + s2 * (1.0 / 7.0 + s2 * (1.0 / 9.0)))))
    return _LOG200 - (e.astype(jnp.float32) * _LN2 + ln_m)


_mesh = plsc.VectorSubcoreMesh(
    core_axis_name="c", subcore_axis_name="s", num_cores=1, num_subcores=1
)


@functools.partial(
    pl.kernel,
    mesh=_mesh,
    compiler_params=pltpu.CompilerParams(needs_layout_passes=False),
    out_type=jax.ShapeDtypeStruct((B * OUT_D,), jnp.float32),
    scratch_types=[
        pltpu.VMEM((B,), jnp.int32),
        pltpu.VMEM((B,), jnp.int32),
        pltpu.VMEM((B, D), jnp.float32),
        pltpu.VMEM((B * OUT_D,), jnp.float32),
        pltpu.SemaphoreType.DMA,
        pltpu.SemaphoreType.DMA,
    ],
)
def _encode(payload_hbm, lens_hbm, out_hbm, lens_v, idx_v, rows_v, outb_v, sem0, sem1):
    pltpu.sync_copy(lens_hbm, lens_v)
    l = lens_v[...]
    lane = lax.broadcasted_iota(jnp.int32, (B,), 0)
    idx_v[...] = lane * T + l - 1
    g0 = pltpu.async_copy(payload_hbm.at[idx_v.at[pl.ds(0, H)]], rows_v.at[pl.ds(0, H)], sem0)
    g1 = pltpu.async_copy(payload_hbm.at[idx_v.at[pl.ds(H, H)]], rows_v.at[pl.ds(H, H)], sem1)

    lf = l.astype(jnp.float32)
    plsc.store_scatter(outb_v, [lane * OUT_D + D], lf * (1.0 / 200.0))
    plsc.store_scatter(outb_v, [lane * OUT_D + (D + 1)], _neg_log_over_200(lf))

    g0.wait()
    for b in range(H):
        for c in range(0, D, 16):
            outb_v[pl.ds(b * OUT_D + c, 16)] = rows_v[b, pl.ds(c, 16)]
    o0 = pltpu.async_copy(outb_v.at[pl.ds(0, H * OUT_D)], out_hbm.at[pl.ds(0, H * OUT_D)], sem0)
    g1.wait()
    for b in range(H, B):
        for c in range(0, D, 16):
            outb_v[pl.ds(b * OUT_D + c, 16)] = rows_v[b, pl.ds(c, 16)]
    o1 = pltpu.async_copy(
        outb_v.at[pl.ds(H * OUT_D, H * OUT_D)], out_hbm.at[pl.ds(H * OUT_D, H * OUT_D)], sem1
    )
    o0.wait()
    o1.wait()


def kernel(payload, seq_lens):
    flat = _encode(payload.reshape(B * T, D), seq_lens.astype(jnp.int32))
    return flat.reshape(B, OUT_D)

# --- scband reference (transcript-rebuilt; emitter-appended) ---
"""Pipeline reference for scband-concat-len-encoder-10557029613706 (READ-ONLY COPY).

The authoritative reference and input builder live on the scoring server;
editing this copy changes nothing except your own understanding.
"""

import jax, jax.numpy as jnp
import numpy as np


def setup_inputs(seed: int = 0) -> dict:
    key = jax.random.key(seed)
    k1, k2 = jax.random.split(key)
    payload = jax.random.normal(k1, (16, 4096, 256), dtype=jnp.float32)
    # seq_lens in [1, 4096] so that (l - 1) is a valid in-range index and log(l/200) is finite
    seq_lens = jax.random.randint(k2, (16,), 1, 4097, dtype=jnp.int64)
    return {"payload": payload, "seq_lens": seq_lens}


def reference(payload, seq_lens):
    # lens = x.seq_lens.unsqueeze(-1).float()
    lens = seq_lens.astype(jnp.float32)[:, None]
    lens_normed = lens / 200.0
    # h = x.payload[range(B), [l - 1 for l in seq_lens]]  (last valid token per sequence)
    batch_idx = jnp.arange(payload.shape[0])
    h = payload[batch_idx, seq_lens - 1]
    embeddings = jnp.concatenate([h, lens_normed, -jnp.log(lens_normed)], axis=-1)
    return embeddings

if __name__ == "__main__":
    import jax
    _d = setup_inputs()
    print(jax.jit(kernel)(*tuple(_d.values())))

</pallas_src>

<mosaic_0001>
#map = affine_map<(d0, d1) -> (0, 0)>
#map1 = affine_map<(d0, d1) -> (0)>
module attributes {stable_mosaic.version = 14 : i64} {
  func.func @_encode(%arg0: i32, %arg1: i32, %arg2: memref<65536x256xf32, #tpu.memory_space<hbm>>, %arg3: memref<16xi32, #tpu.memory_space<hbm>>, %arg4: memref<4128xf32, #tpu.memory_space<hbm>>, %arg5: memref<16xi32, #tpu.memory_space<vmem>>, %arg6: memref<16xi32, #tpu.memory_space<vmem>>, %arg7: memref<16x256xf32, #tpu.memory_space<vmem>>, %arg8: memref<4128xf32, #tpu.memory_space<vmem>>, %arg9: memref<!tpu.dma_semaphore, #tpu.memory_space<semaphore_mem>>, %arg10: memref<!tpu.dma_semaphore, #tpu.memory_space<semaphore_mem>>) attributes {dimension_semantics = [#tpu.dimension_semantics<core_parallel>, #tpu.dimension_semantics<subcore_parallel>], iteration_bounds = array<i64: 1, 1>, scalar_prefetch = 0 : i64, scratch_operands = 6 : i64, tpu.core_type = #tpu.core_type<sc_vector_subcore>, window_params = [{transform_indices = #map}, {transform_indices = #map1}, {transform_indices = #map1}]} {
    "tpu.region"() ({
      %run_scoped3A = tpu.sem_alloc : memref<!tpu.dma_semaphore, #tpu.memory_space<semaphore_mem>>
      tpu.enqueue_dma source(%arg3 : memref<16xi32, #tpu.memory_space<hbm>>) target(%arg5 : memref<16xi32, #tpu.memory_space<vmem>>) target_semaphore(%run_scoped3A : memref<!tpu.dma_semaphore, #tpu.memory_space<semaphore_mem>>)
      tpu.wait_dma2 semaphore(%run_scoped3A : memref<!tpu.dma_semaphore, #tpu.memory_space<semaphore_mem>>) src(%arg3 : memref<16xi32, #tpu.memory_space<hbm>>) dst(%arg5 : memref<16xi32, #tpu.memory_space<vmem>>)
      tpu.yield
    }) : () -> ()
    %get3A = arith.constant 0 : index
    %get3A_0 = tpu.vector_load %arg5[%get3A] {strides = array<i32>} : memref<16xi32, #tpu.memory_space<vmem>>, vector<16xi32>,
    %iota3A = tpu.iota {dimensions = array<i32: 0>} : vector<16xi32>
    %mul3A = arith.constant 4096 : i32
    %mul3A_1 = vector.broadcast %mul3A : i32 to vector<16xi32>
    %mul3A_2 = arith.muli %iota3A, %mul3A_1 : vector<16xi32>
    %add3A = arith.addi %mul3A_2, %get3A_0 : vector<16xi32>
    %sub3A = arith.constant 1 : i32
    %sub3A_3 = vector.broadcast %sub3A : i32 to vector<16xi32>
    %sub3A_4 = arith.subi %add3A, %sub3A_3 : vector<16xi32>
    %swap3A = arith.constant 0 : index
    %swap3A_5 = tpu.vector_load %arg6[%swap3A] {strides = array<i32>} : memref<16xi32, #tpu.memory_space<vmem>>, vector<16xi32>,
    tpu.vector_store %arg6[%swap3A], %sub3A_4 {strides = array<i32>} : memref<16xi32, #tpu.memory_space<vmem>>, vector<16xi32>,
    %dma_start3A = arith.constant 0 : i32
    %dma_start3A_6 = arith.constant 0 : i32
    %dma_start3A_7 = tpu.memref_slice %arg7[%dma_start3A, %dma_start3A_6] : memref<16x256xf32, #tpu.memory_space<vmem>> -> memref<8x256xf32, #tpu.memory_space<vmem>>
    %dma_start3A_8 = arith.constant 0 : i32
    %dma_start3A_9 = tpu.memref_slice %arg6[%dma_start3A_8] : memref<16xi32, #tpu.memory_space<vmem>> -> memref<8xi32, #tpu.memory_space<vmem>>
    %dma_start3A_10 = arith.constant 0 : i32
    %dma_start3A_11 = arith.constant 0 : i32
    %dma_start3A_12 = tpu.memref_slice %arg2[%dma_start3A_10, %dma_start3A_11] : memref<65536x256xf32, #tpu.memory_space<hbm>> -> memref<65536x256xf32, #tpu.memory_space<hbm>>
    tpu.enqueue_indirect_dma source(%dma_start3A_12 : memref<65536x256xf32, #tpu.memory_space<hbm>>) target(%dma_start3A_7 : memref<8x256xf32, #tpu.memory_space<vmem>>) offsets(%dma_start3A_9 : memref<8xi32, #tpu.memory_space<vmem>>) semaphore(%arg9 : memref<!tpu.dma_semaphore, #tpu.memory_space<semaphore_mem>>)
    %dma_start3A_13 = arith.constant 8 : i32
    %dma_start3A_14 = arith.constant 0 : i32
    %dma_start3A_15 = tpu.memref_slice %arg7[%dma_start3A_13, %dma_start3A_14] : memref<16x256xf32, #tpu.memory_space<vmem>> -> memref<8x256xf32, #tpu.memory_space<vmem>>
    %dma_start3A_16 = arith.constant 8 : i32
    %dma_start3A_17 = tpu.memref_slice %arg6[%dma_start3A_16] : memref<16xi32, #tpu.memory_space<vmem>> -> memref<8xi32, #tpu.memory_space<vmem>>
    %dma_start3A_18 = arith.constant 0 : i32
    %dma_start3A_19 = arith.constant 0 : i32
    %dma_start3A_20 = tpu.memref_slice %arg2[%dma_start3A_18, %dma_start3A_19] : memref<65536x256xf32, #tpu.memory_space<hbm>> -> memref<65536x256xf32, #tpu.memory_space<hbm>>
    tpu.enqueue_indirect_dma source(%dma_start3A_20 : memref<65536x256xf32, #tpu.memory_space<hbm>>) target(%dma_start3A_15 : memref<8x256xf32, #tpu.memory_space<vmem>>) offsets(%dma_start3A_17 : memref<8xi32, #tpu.memory_space<vmem>>) semaphore(%arg10 : memref<!tpu.dma_semaphore, #tpu.memory_space<semaphore_mem>>)
    %convert_element_type3A = arith.sitofp %get3A_0 : vector<16xi32> to vector<16xf32>
    %mul3A_21 = arith.constant 258 : i32
    %mul3A_22 = vector.broadcast %mul3A_21 : i32 to vector<16xi32>
    %mul3A_23 = arith.muli %iota3A, %mul3A_22 : vector<16xi32>
    %add3A_24 = arith.constant 256 : i32
    %add3A_25 = vector.broadcast %add3A_24 : i32 to vector<16xi32>
    %add3A_26 = arith.addi %mul3A_23, %add3A_25 : vector<16xi32>
    %mul3A_27 = arith.constant 5.000000e-03 : f32
    %mul3A_28 = vector.broadcast %mul3A_27 : f32 to vector<16xf32>
    %mul3A_29 = arith.mulf %convert_element_type3A, %mul3A_28 : vector<16xf32>
    tpu.vector_store_idx %arg8[%add3A_26], %mul3A_29 : memref<4128xf32, #tpu.memory_space<vmem>>[vector<16xi32>], vector<16xf32>,
    %mul3A_30 = arith.constant 258 : i32
    %mul3A_31 = vector.broadcast %mul3A_30 : i32 to vector<16xi32>
    %mul3A_32 = arith.muli %iota3A, %mul3A_31 : vector<16xi32>
    %add3A_33 = arith.constant 257 : i32
    %add3A_34 = vector.broadcast %add3A_33 : i32 to vector<16xi32>
    %add3A_35 = arith.addi %mul3A_32, %add3A_34 : vector<16xi32>
    %bitcast_convert_type3A = tpu.bitcast %convert_element_type3A : vector<16xf32> -> vector<16xi32>
    %shift_right_arithmetic3A = arith.constant 23 : i32
    %shift_right_arithmetic3A_36 = vector.broadcast %shift_right_arithmetic3A : i32 to vector<16xi32>
    %shift_right_arithmetic3A_37 = arith.shrsi %bitcast_convert_type3A, %shift_right_arithmetic3A_36 : vector<16xi32>
    %and3A = arith.constant 255 : i32
    %and3A_38 = vector.broadcast %and3A : i32 to vector<16xi32>
    %and3A_39 = arith.andi %shift_right_arithmetic3A_37, %and3A_38 : vector<16xi32>
    %sub3A_40 = arith.constant 127 : i32
    %sub3A_41 = vector.broadcast %sub3A_40 : i32 to vector<16xi32>
    %sub3A_42 = arith.subi %and3A_39, %sub3A_41 : vector<16xi32>
    %and3A_43 = arith.constant 8388607 : i32
    %and3A_44 = vector.broadcast %and3A_43 : i32 to vector<16xi32>
    %and3A_45 = arith.andi %bitcast_convert_type3A, %and3A_44 : vector<16xi32>
    %or3A = arith.constant 1065353216 : i32
    %or3A_46 = vector.broadcast %or3A : i32 to vector<16xi32>
    %or3A_47 = arith.ori %and3A_45, %or3A_46 : vector<16xi32>
    %bitcast_convert_type3A_48 = tpu.bitcast %or3A_47 : vector<16xi32> -> vector<16xf32>
    %sub3A_49 = arith.constant 1.000000e+00 : f32
    %sub3A_50 = vector.broadcast %sub3A_49 : f32 to vector<16xf32>
    %sub3A_51 = arith.subf %bitcast_convert_type3A_48, %sub3A_50 : vector<16xf32>
    %add3A_52 = arith.constant 1.000000e+00 : f32
    %add3A_53 = vector.broadcast %add3A_52 : f32 to vector<16xf32>
    %add3A_54 = arith.addf %bitcast_convert_type3A_48, %add3A_53 : vector<16xf32>
    %div3A = arith.divf %sub3A_51, %add3A_54 : vector<16xf32>
    %mul3A_55 = arith.mulf %div3A, %div3A : vector<16xf32>
    %mul3A_56 = arith.constant 2.000000e+00 : f32
    %mul3A_57 = vector.broadcast %mul3A_56 : f32 to vector<16xf32>
    %mul3A_58 = arith.mulf %mul3A_57, %div3A : vector<16xf32>
    %mul3A_59 = arith.constant 0.111111112 : f32
    %mul3A_60 = vector.broadcast %mul3A_59 : f32 to vector<16xf32>
    %mul3A_61 = arith.mulf %mul3A_55, %mul3A_60 : vector<16xf32>
    %add3A_62 = arith.constant 0.142857149 : f32
    %add3A_63 = vector.broadcast %add3A_62 : f32 to vector<16xf32>
    %add3A_64 = arith.addf %add3A_63, %mul3A_61 : vector<16xf32>
    %mul3A_65 = arith.mulf %mul3A_55, %add3A_64 : vector<16xf32>
    %add3A_66 = arith.constant 2.000000e-01 : f32
    %add3A_67 = vector.broadcast %add3A_66 : f32 to vector<16xf32>
    %add3A_68 = arith.addf %add3A_67, %mul3A_65 : vector<16xf32>
    %mul3A_69 = arith.mulf %mul3A_55, %add3A_68 : vector<16xf32>
    %add3A_70 = arith.constant 0.333333343 : f32
    %add3A_71 = vector.broadcast %add3A_70 : f32 to vector<16xf32>
    %add3A_72 = arith.addf %add3A_71, %mul3A_69 : vector<16xf32>
    %mul3A_73 = arith.mulf %mul3A_55, %add3A_72 : vector<16xf32>
    %add3A_74 = arith.constant 1.000000e+00 : f32
    %add3A_75 = vector.broadcast %add3A_74 : f32 to vector<16xf32>
    %add3A_76 = arith.addf %add3A_75, %mul3A_73 : vector<16xf32>
    %mul3A_77 = arith.mulf %mul3A_58, %add3A_76 : vector<16xf32>
    %convert_element_type3A_78 = arith.sitofp %sub3A_42 : vector<16xi32> to vector<16xf32>
    %mul3A_79 = arith.constant 0.693147182 : f32
    %mul3A_80 = vector.broadcast %mul3A_79 : f32 to vector<16xf32>
    %mul3A_81 = arith.mulf %convert_element_type3A_78, %mul3A_80 : vector<16xf32>
    %add3A_82 = arith.addf %mul3A_81, %mul3A_77 : vector<16xf32>
    %sub3A_83 = arith.constant 5.29831743 : f32
    %sub3A_84 = vector.broadcast %sub3A_83 : f32 to vector<16xf32>
    %sub3A_85 = arith.subf %sub3A_84, %add3A_82 : vector<16xf32>
    tpu.vector_store_idx %arg8[%add3A_35], %sub3A_85 : memref<4128xf32, #tpu.memory_space<vmem>>[vector<16xi32>], vector<16xf32>,
    %dma_wait3A = arith.constant 0 : i32
    %dma_wait3A_86 = arith.constant 0 : i32
    %dma_wait3A_87 = tpu.memref_slice %arg7[%dma_wait3A, %dma_wait3A_86] : memref<16x256xf32, #tpu.memory_space<vmem>> -> memref<8x256xf32, #tpu.memory_space<vmem>>
    %dma_wait3A_88 = arith.constant 0 : i32
    %dma_wait3A_89 = tpu.memref_slice %arg6[%dma_wait3A_88] : memref<16xi32, #tpu.memory_space<vmem>> -> memref<8xi32, #tpu.memory_space<vmem>>
    %dma_wait3A_90 = arith.constant 0 : i32
    %dma_wait3A_91 = arith.constant 0 : i32
    %dma_wait3A_92 = tpu.memref_slice %arg2[%dma_wait3A_90, %dma_wait3A_91] : memref<65536x256xf32, #tpu.memory_space<hbm>> -> memref<65536x256xf32, #tpu.memory_space<hbm>>
    tpu.wait_indirect_dma semaphore(%arg9 : memref<!tpu.dma_semaphore, #tpu.memory_space<semaphore_mem>>) src(%dma_wait3A_92 : memref<65536x256xf32, #tpu.memory_space<hbm>>) dst(%dma_wait3A_87 : memref<8x256xf32, #tpu.memory_space<vmem>>)
    %get3A_93 = arith.constant 0 : i32
    %get3A_94 = arith.index_cast %get3A_93 : i32 to index
    %get3A_95 = arith.constant 0 : index
    %get3A_96 = tpu.vector_load %arg7[%get3A_94, %get3A_95] {strides = array<i32>} : memref<16x256xf32, #tpu.memory_space<vmem>>, vector<16xf32>,
    %swap3A_97 = arith.constant 0 : index
    %swap3A_98 = tpu.vector_load %arg8[%swap3A_97] {strides = array<i32>} : memref<4128xf32, #tpu.memory_space<vmem>>, vector<16xf32>,
    tpu.vector_store %arg8[%swap3A_97], %get3A_96 {strides = array<i32>} : memref<4128xf32, #tpu.memory_space<vmem>>, vector<16xf32>,
    %get3A_99 = arith.constant 0 : i32
    %get3A_100 = arith.index_cast %get3A_99 : i32 to index
    %get3A_101 = arith.constant 16 : index
    %get3A_102 = tpu.vector_load %arg7[%get3A_100, %get3A_101] {strides = array<i32>} : memref<16x256xf32, #tpu.memory_space<vmem>>, vector<16xf32>,
    %swap3A_103 = arith.constant 16 : index
    %swap3A_104 = tpu.vector_load %arg8[%swap3A_103] {strides = array<i32>} : memref<4128xf32, #tpu.memory_space<vmem>>, vector<16xf32>,
    tpu.vector_store %arg8[%swap3A_103], %get3A_102 {strides = array<i32>} : memref<4128xf32, #tpu.memory_space<vmem>>, vector<16xf32>,
    %get3A_105 = arith.constant 0 : i32
    %get3A_106 = arith.index_cast %get3A_105 : i32 to index
    %get3A_107 = arith.constant 32 : index
    %get3A_108 = tpu.vector_load %arg7[%get3A_106, %get3A_107] {strides = array<i32>} : memref<16x256xf32, #tpu.memory_space<vmem>>, vector<16xf32>,
    %swap3A_109 = arith.constant 32 : index
    %swap3A_110 = tpu.vector_load %arg8[%swap3A_109] {strides = array<i32>} : memref<4128xf32, #tpu.memory_space<vmem>>, vector<16xf32>,
    tpu.vector_store %arg8[%swap3A_109], %get3A_108 {strides = array<i32>} : memref<4128xf32, #tpu.memory_space<vmem>>, vector<16xf32>,
    %get3A_111 = arith.constant 0 : i32
    %get3A_112 = arith.index_cast %get3A_111 : i32 to index
    %get3A_113 = arith.constant 48 : index
    %get3A_114 = tpu.vector_load %arg7[%get3A_112, %get3A_113] {strides = array<i32>} : memref<16x256xf32, #tpu.memory_space<vmem>>, vector<16xf32>,
    %swap3A_115 = arith.constant 48 : index
    %swap3A_116 = tpu.vector_load %arg8[%swap3A_115] {strides = array<i32>} : memref<4128xf32, #tpu.memory_space<vmem>>, vector<16xf32>,
    tpu.vector_store %arg8[%swap3A_115], %get3A_114 {strides = array<i32>} : memref<4128xf32, #tpu.memory_space<vmem>>, vector<16xf32>,
    %get3A_117 = arith.constant 0 : i32
    %get3A_118 = arith.index_cast %get3A_117 : i32 to index
    %get3A_119 = arith.constant 64 : index
    %get3A_120 = tpu.vector_load %arg7[%get3A_118, %get3A_119] {strides = array<i32>} : memref<16x256xf32, #tpu.memory_space<vmem>>, vector<16xf32>,
    %swap3A_121 = arith.constant 64 : index
    %swap3A_122 = tpu.vector_load %arg8[%swap3A_121] {strides = array<i32>} : memref<4128xf32, #tpu.memory_space<vmem>>, vector<16xf32>,
    tpu.vector_store %arg8[%swap3A_121], %get3A_120 {strides = array<i32>} : memref<4128xf32, #tpu.memory_space<vmem>>, vector<16xf32>,
    %get3A_123 = arith.constant 0 : i32
    %get3A_124 = arith.index_cast %get3A_123 : i32 to index
    %get3A_125 = arith.constant 80 : index
    %get3A_126 = tpu.vector_load %arg7[%get3A_124, %get3A_125] {strides = array<i32>} : memref<16x256xf32, #tpu.memory_space<vmem>>, vector<16xf32>,
    %swap3A_127 = arith.constant 80 : index
    %swap3A_128 = tpu.vector_load %arg8[%swap3A_127] {strides = array<i32>} : memref<4128xf32, #tpu.memory_space<vmem>>, vector<16xf32>,
    tpu.vector_store %arg8[%swap3A_127], %get3A_126 {strides = array<i32>} : memref<4128xf32, #tpu.memory_space<vmem>>, vector<16xf32>,
    %get3A_129 = arith.constant 0 : i32
    %get3A_130 = arith.index_cast %get3A_129 : i32 to index
    %get3A_131 = arith.constant 96 : index
    %get3A_132 = tpu.vector_load %arg7[%get3A_130, %get3A_131] {strides = array<i32>} : memref<16x256xf32, #tpu.memory_space<vmem>>, vector<16xf32>,
    %swap3A_133 = arith.constant 96 : index
    %swap3A_134 = tpu.vector_load %arg8[%swap3A_133] {strides = array<i32>} : memref<4128xf32, #tpu.memory_space<vmem>>, vector<16xf32>,
    tpu.vector_store %arg8[%swap3A_133], %get3A_132 {strides = array<i32>} : memref<4128xf32, #tpu.memory_space<vmem>>, vector<16xf32>,
    %get3A_135 = arith.constant 0 : i32
    %get3A_136 = arith.index_cast %get3A_135 : i32 to index
    %get3A_137 = arith.constant 112 : index
    %get3A_138 = tpu.vector_load %arg7[%get3A_136, %get3A_137] {strides = array<i32>} : memref<16x256xf32, #tpu.memory_space<vmem>>, vector<16xf32>,
    %swap3A_139 = arith.constant 112 : index
    %swap3A_140 = tpu.vector_load %arg8[%swap3A_139] {strides = array<i32>} : memref<4128xf32, #tpu.memory_space<vmem>>, vector<16xf32>,
    tpu.vector_store %arg8[%swap3A_139], %get3A_138 {strides = array<i32>} : memref<4128xf32, #tpu.memory_space<vmem>>, vector<16xf32>,
    %get3A_141 = arith.constant 0 : i32
    %get3A_142 = arith.index_cast %get3A_141 : i32 to index
    %get3A_143 = arith.constant 128 : index
    %get3A_144 = tpu.vector_load %arg7[%get3A_142, %get3A_143] {strides = array<i32>} : memref<16x256xf32, #tpu.memory_space<vmem>>, vector<16xf32>,
    %swap3A_145 = arith.constant 128 : index
    %swap3A_146 = tpu.vector_load %arg8[%swap3A_145] {strides = array<i32>} : memref<4128xf32, #tpu.memory_space<vmem>>, vector<16xf32>,
    tpu.vector_store %arg8[%swap3A_145], %get3A_144 {strides = array<i32>} : memref<4128xf32, #tpu.memory_space<vmem>>, vector<16xf32>,
    %get3A_147 = arith.constant 0 : i32
    %get3A_148 = arith.index_cast %get3A_147 : i32 to index
    %get3A_149 = arith.constant 144 : index
    %get3A_150 = tpu.vector_load %arg7[%get3A_148, %get3A_149] {strides = array<i32>} : memref<16x256xf32, #tpu.memory_space<vmem>>, vector<16xf32>,
    %swap3A_151 = arith.constant 144 : index
    %swap3A_152 = tpu.vector_load %arg8[%swap3A_151] {strides = array<i32>} : memref<4128xf32, #tpu.memory_space<vmem>>, vector<16xf32>,
    tpu.vector_store %arg8[%swap3A_151], %get3A_150 {strides = array<i32>} : memref<4128xf32, #tpu.memory_space<vmem>>, vector<16xf32>,
    %get3A_153 = arith.constant 0 : i32
    %get3A_154 = arith.index_cast %get3A_153 : i32 to index
    %get3A_155 = arith.constant 160 : index
    %get3A_156 = tpu.vector_load %arg7[%get3A_154, %get3A_155] {strides = array<i32>} : memref<16x256xf32, #tpu.memory_space<vmem>>, vector<16xf32>,
    %swap3A_157 = arith.constant 160 : index
    %swap3A_158 = tpu.vector_load %arg8[%swap3A_157] {strides = array<i32>} : memref<4128xf32, #tpu.memory_space<vmem>>, vector<16xf32>,
    tpu.vector_store %arg8[%swap3A_157], %get3A_156 {strides = array<i32>} : memref<4128xf32, #tpu.memory_space<vmem>>, vector<16xf32>,
    %get3A_159 = arith.constant 0 : i32
    %get3A_160 = arith.index_cast %get3A_159 : i32 to index
    %get3A_161 = arith.constant 176 : index
    %get3A_162 = tpu.vector_load %arg7[%get3A_160, %get3A_161] {strides = array<i32>} : memref<16x256xf32, #tpu.memory_space<vmem>>, vector<16xf32>,
    %swap3A_163 = arith.constant 176 : index
    %swap3A_164 = tpu.vector_load %arg8[%swap3A_163] {strides = array<i32>} : memref<4128xf32, #tpu.memory_space<vmem>>, vector<16xf32>,
    tpu.vector_store %arg8[%swap3A_163], %get3A_162 {strides = array<i32>} : memref<4128xf32, #tpu.memory_space<vmem>>, vector<16xf32>,
    %get3A_165 = arith.constant 0 : i32
    %get3A_166 = arith.index_cast %get3A_165 : i32 to index
    %get3A_167 = arith.constant 192 : index
    %get3A_168 = tpu.vector_load %arg7[%get3A_166, %get3A_167] {strides = array<i32>} : memref<16x256xf32, #tpu.memory_space<vmem>>, vector<16xf32>,
    %swap3A_169 = arith.constant 192 : index
    %swap3A_170 = tpu.vector_load %arg8[%swap3A_169] {strides = array<i32>} : memref<4128xf32, #tpu.memory_space<vmem>>, vector<16xf32>,
    tpu.vector_store %arg8[%swap3A_169], %get3A_168 {strides = array<i32>} : memref<4128xf32, #tpu.memory_space<vmem>>, vector<16xf32>,
    %get3A_171 = arith.constant 0 : i32
    %get3A_172 = arith.index_cast %get3A_171 : i32 to index
    %get3A_173 = arith.constant 208 : index
    %get3A_174 = tpu.vector_load %arg7[%get3A_172, %get3A_173] {strides = array<i32>} : memref<16x256xf32, #tpu.memory_space<vmem>>, vector<16xf32>,
    %swap3A_175 = arith.constant 208 : index
    %swap3A_176 = tpu.vector_load %arg8[%swap3A_175] {strides = array<i32>} : memref<4128xf32, #tpu.memory_space<vmem>>, vector<16xf32>,
    tpu.vector_store %arg8[%swap3A_175], %get3A_174 {strides = array<i32>} : memref<4128xf32, #tpu.memory_space<vmem>>, vector<16xf32>,
    %get3A_177 = arith.constant 0 : i32
    %get3A_178 = arith.index_cast %get3A_177 : i32 to index
    %get3A_179 = arith.constant 224 : index
    %get3A_180 = tpu.vector_load %arg7[%get3A_178, %get3A_179] {strides = array<i32>} : memref<16x256xf32, #tpu.memory_space<vmem>>, vector<16xf32>,
    %swap3A_181 = arith.constant 224 : index
    %swap3A_182 = tpu.vector_load %arg8[%swap3A_181] {strides = array<i32>} : memref<4128xf32, #tpu.memory_space<vmem>>, vector<16xf32>,
    tpu.vector_store %arg8[%swap3A_181], %get3A_180 {strides = array<i32>} : memref<4128xf32, #tpu.memory_space<vmem>>, vector<16xf32>,
    %get3A_183 = arith.constant 0 : i32
    %get3A_184 = arith.index_cast %get3A_183 : i32 to index
    %get3A_185 = arith.constant 240 : index
    %get3A_186 = tpu.vector_load %arg7[%get3A_184, %get3A_185] {strides = array<i32>} : memref<16x256xf32, #tpu.memory_space<vmem>>, vector<16xf32>,
    %swap3A_187 = arith.constant 240 : index
    %swap3A_188 = tpu.vector_load %arg8[%swap3A_187] {strides = array<i32>} : memref<4128xf32, #tpu.memory_space<vmem>>, vector<16xf32>,
    tpu.vector_store %arg8[%swap3A_187], %get3A_186 {strides = array<i32>} : memref<4128xf32, #tpu.memory_space<vmem>>, vector<16xf32>,
    %get3A_189 = arith.constant 1 : i32
    %get3A_190 = arith.index_cast %get3A_189 : i32 to index
    %get3A_191 = arith.constant 0 : index
    %get3A_192 = tpu.vector_load %arg7[%get3A_190, %get3A_191] {strides = array<i32>} : memref<16x256xf32, #tpu.memory_space<vmem>>, vector<16xf32>,
    %swap3A_193 = arith.constant 258 : index
    %swap3A_194 = tpu.vector_load %arg8[%swap3A_193] {strides = array<i32>} : memref<4128xf32, #tpu.memory_space<vmem>>, vector<16xf32>,
    tpu.vector_store %arg8[%swap3A_193], %get3A_192 {strides = array<i32>} : memref<4128xf32, #tpu.memory_space<vmem>>, vector<16xf32>,
    %get3A_195 = arith.constant 1 : i32
    %get3A_196 = arith.index_cast %get3A_195 : i32 to index
    %get3A_197 = arith.constant 16 : index
    %get3A_198 = tpu.vector_load %arg7[%get3A_196, %get3A_197] {strides = array<i32>} : memref<16x256xf32, #tpu.memory_space<vmem>>, vector<16xf32>,
    %swap3A_199 = arith.constant 274 : index
    %swap3A_200 = tpu.vector_load %arg8[%swap3A_199] {strides = array<i32>} : memref<4128xf32, #tpu.memory_space<vmem>>, vector<16xf32>,
    tpu.vector_store %arg8[%swap3A_199], %get3A_198 {strides = array<i32>} : memref<4128xf32, #tpu.memory_space<vmem>>, vector<16xf32>,
    %get3A_201 = arith.constant 1 : i32
    %get3A_202 = arith.index_cast %get3A_201 : i32 to index
    %get3A_203 = arith.constant 32 : index
    %get3A_204 = tpu.vector_load %arg7[%get3A_202, %get3A_203] {strides = array<i32>} : memref<16x256xf32, #tpu.memory_space<vmem>>, vector<16xf32>,
    %swap3A_205 = arith.constant 290 : index
    %swap3A_206 = tpu.vector_load %arg8[%swap3A_205] {strides = array<i32>} : memref<4128xf32, #tpu.memory_space<vmem>>, vector<16xf32>,
    tpu.vector_store %arg8[%swap3A_205], %get3A_204 {strides = array<i32>} : memref<4128xf32, #tpu.memory_space<vmem>>, vector<16xf32>,
    %get3A_207 = arith.constant 1 : i32
    %get3A_208 = arith.index_cast %get3A_207 : i32 to index
    %get3A_209 = arith.constant 48 : index
    %get3A_210 = tpu.vector_load %arg7[%get3A_208, %get3A_209] {strides = array<i32>} : memref<16x256xf32, #tpu.memory_space<vmem>>, vector<16xf32>,
    %swap3A_211 = arith.constant 306 : index
    %swap3A_212 = tpu.vector_load %arg8[%swap3A_211] {strides = array<i32>} : memref<4128xf32, #tpu.memory_space<vmem>>, vector<16xf32>,
    tpu.vector_store %arg8[%swap3A_211], %get3A_210 {strides = array<i32>} : memref<4128xf32, #tpu.memory_space<vmem>>, vector<16xf32>,
    %get3A_213 = arith.constant 1 : i32
    %get3A_214 = arith.index_cast %get3A_213 : i32 to index
    %get3A_215 = arith.constant 64 : index
    %get3A_216 = tpu.vector_load %arg7[%get3A_214, %get3A_215] {strides = array<i32>} : memref<16x256xf32, #tpu.memory_space<vmem>>, vector<16xf32>,
    %swap3A_217 = arith.constant 322 : index
    %swap3A_218 = tpu.vector_load %arg8[%swap3A_217] {strides = array<i32>} : memref<4128xf32, #tpu.memory_space<vmem>>, vector<16xf32>,
    tpu.vector_store %arg8[%swap3A_217], %get3A_216 {strides = array<i32>} : memref<4128xf32, #tpu.memory_space<vmem>>, vector<16xf32>,
    %get3A_219 = arith.constant 1 : i32
    %get3A_220 = arith.index_cast %get3A_219 : i32 to index
    %get3A_221 = arith.constant 80 : index
    %get3A_222 = tpu.vector_load %arg7[%get3A_220, %get3A_221] {strides = array<i32>} : memref<16x256xf32, #tpu.memory_space<vmem>>, vector<16xf32>,
    %swap3A_223 = arith.constant 338 : index
    %swap3A_224 = tpu.vector_load %arg8[%swap3A_223] {strides = array<i32>} : memref<4128xf32, #tpu.memory_space<vmem>>, vector<16xf32>,
    tpu.vector_store %arg8[%swap3A_223], %get3A_222 {strides = array<i32>} : memref<4128xf32, #tpu.memory_space<vmem>>, vector<16xf32>,
    %get3A_225 = arith.constant 1 : i32
    %get3A_226 = arith.index_cast %get3A_225 : i32 to index
    %get3A_227 = arith.constant 96 : index
    %get3A_228 = tpu.vector_load %arg7[%get3A_226, %get3A_227] {strides = array<i32>} : memref<16x256xf32, #tpu.memory_space<vmem>>, vector<16xf32>,
    %swap3A_229 = arith.constant 354 : index
    %swap3A_230 = tpu.vector_load %arg8[%swap3A_229] {strides = array<i32>} : memref<4128xf32, #tpu.memory_space<vmem>>, vector<16xf32>,
    tpu.vector_store %arg8[%swap3A_229], %get3A_228 {strides = array<i32>} : memref<4128xf32, #tpu.memory_space<vmem>>, vector<16xf32>,
    %get3A_231 = arith.constant 1 : i32
    %get3A_232 = arith.index_cast %get3A_231 : i32 to index
    %get3A_233 = arith.constant 112 : index
    %get3A_234 = tpu.vector_load %arg7[%get3A_232, %get3A_233] {strides = array<i32>} : memref<16x256xf32, #tpu.memory_space<vmem>>, vector<16xf32>,
    %swap3A_235 = arith.constant 370 : index
    %swap3A_236 = tpu.vector_load %arg8[%swap3A_235] {strides = array<i32>} : memref<4128xf32, #tpu.memory_space<vmem>>, vector<16xf32>,
    tpu.vector_store %arg8[%swap3A_235], %get3A_234 {strides = array<i32>} : memref<4128xf32, #tpu.memory_space<vmem>>, vector<16xf32>,
    %get3A_237 = arith.constant 1 : i32
    %get3A_238 = arith.index_cast %get3A_237 : i32 to index
    %get3A_239 = arith.constant 128 : index
    %get3A_240 = tpu.vector_load %arg7[%get3A_238, %get3A_239] {strides = array<i32>} : memref<16x256xf32, #tpu.memory_space<vmem>>, vector<16xf32>,
    %swap3A_241 = arith.constant 386 : index
    %swap3A_242 = tpu.vector_load %arg8[%swap3A_241] {strides = array<i32>} : memref<4128xf32, #tpu.memory_space<vmem>>, vector<16xf32>,
    tpu.vector_store %arg8[%swap3A_241], %get3A_240 {strides = array<i32>} : memref<4128xf32, #tpu.memory_space<vmem>>, vector<16xf32>,
    %get3A_243 = arith.constant 1 : i32
    %get3A_244 = arith.index_cast %get3A_243 : i32 to index
    %get3A_245 = arith.constant 144 : index
    %get3A_246 = tpu.vector_load %arg7[%get3A_244, %get3A_245] {strides = array<i32>} : memref<16x256xf32, #tpu.memory_space<vmem>>, vector<16xf32>,
    %swap3A_247 = arith.constant 402 : index
    %swap3A_248 = tpu.vector_load %arg8[%swap3A_247] {strides = array<i32>} : memref<4128xf32, #tpu.memory_space<vmem>>, vector<16xf32>,
    tpu.vector_store %arg8[%swap3A_247], %get3A_246 {strides = array<i32>} : memref<4128xf32, #tpu.memory_space<vmem>>, vector<16xf32>,
    %get3A_249 = arith.constant 1 : i32
    %get3A_250 = arith.index_cast %get3A_249 : i32 to index
    %get3A_251 = arith.constant 160 : index
    %get3A_252 = tpu.vector_load %arg7[%get3A_250, %get3A_251] {strides = array<i32>} : memref<16x256xf32, #tpu.memory_space<vmem>>, vector<16xf32>,
    %swap3A_253 = arith.constant 418 : index
    %swap3A_254 = tpu.vector_load %arg8[%swap3A_253] {strides = array<i32>} : memref<4128xf32, #tpu.memory_space<vmem>>, vector<16xf32>,
    tpu.vector_store %arg8[%swap3A_253], %get3A_252 {strides = array<i32>} : memref<4128xf32, #tpu.memory_space<vmem>>, vector<16xf32>,
    %get3A_255 = arith.constant 1 : i32
    %get3A_256 = arith.index_cast %get3A_255 : i32 to index
    %get3A_257 = arith.constant 176 : index
    %get3A_258 = tpu.vector_load %arg7[%get3A_256, %get3A_257] {strides = array<i32>} : memref<16x256xf32, #tpu.memory_space<vmem>>, vector<16xf32>,
    %swap3A_259 = arith.constant 434 : index
    %swap3A_260 = tpu.vector_load %arg8[%swap3A_259] {strides = array<i32>} : memref<4128xf32, #tpu.memory_space<vmem>>, vector<16xf32>,
    tpu.vector_store %arg8[%swap3A_259], %get3A_258 {strides = array<i32>} : memref<4128xf32, #tpu.memory_space<vmem>>, vector<16xf32>,
    %get3A_261 = arith.constant 1 : i32
    %get3A_262 = arith.index_cast %get3A_261 : i32 to index
    %get3A_263 = arith.constant 192 : index
    %get3A_264 = tpu.vector_load %arg7[%get3A_262, %get3A_263] {strides = array<i32>} : memref<16x256xf32, #tpu.memory_space<vmem>>, vector<16xf32>,
    %swap3A_265 = arith.constant 450 : index
    %swap3A_266 = tpu.vector_load %arg8[%swap3A_265] {strides = array<i32>} : memref<4128xf32, #tpu.memory_space<vmem>>, vector<16xf32>,
    tpu.vector_store %arg8[%swap3A_265], %get3A_264 {strides = array<i32>} : memref<4128xf32, #tpu.memory_space<vmem>>, vector<16xf32>,
    %get3A_267 = arith.constant 1 : i32
    %get3A_268 = arith.index_cast %get3A_267 : i32 to index
    %get3A_269 = arith.constant 208 : index
    %get3A_270 = tpu.vector_load %arg7[%get3A_268, %get3A_269] {strides = array<i32>} : memref<16x256xf32, #tpu.memory_space<vmem>>, vector<16xf32>,
    %swap3A_271 = arith.constant 466 : index
    %swap3A_272 = tpu.vector_load %arg8[%swap3A_271] {strides = array<i32>} : memref<4128xf32, #tpu.memory_space<vmem>>, vector<16xf32>,
    tpu.vector_store %arg8[%swap3A_271], %get3A_270 {strides = array<i32>} : memref<4128xf32, #tpu.memory_space<vmem>>, vector<16xf32>,
    %get3A_273 = arith.constant 1 : i32
    %get3A_274 = arith.index_cast %get3A_273 : i32 to index
    %get3A_275 = arith.constant 224 : index
    %get3A_276 = tpu.vector_load %arg7[%get3A_274, %get3A_275] {strides = array<i32>} : memref<16x256xf32, #tpu.memory_space<vmem>>, vector<16xf32>,
    %swap3A_277 = arith.constant 482 : index
    %swap3A_278 = tpu.vector_load %arg8[%swap3A_277] {strides = array<i32>} : memref<4128xf32, #tpu.memory_space<vmem>>, vector<16xf32>,
    tpu.vector_store %arg8[%swap3A_277], %get3A_276 {strides = array<i32>} : memref<4128xf32, #tpu.memory_space<vmem>>, vector<16xf32>,
    %get3A_279 = arith.constant 1 : i32
    %get3A_280 = arith.index_cast %get3A_279 : i32 to index
    %get3A_281 = arith.constant 240 : index
    %get3A_282 = tpu.vector_load %arg7[%get3A_280, %get3A_281] {strides = array<i32>} : memref<16x256xf32, #tpu.memory_space<vmem>>, vector<16xf32>,
    %swap3A_283 = arith.constant 498 : index
    %swap3A_284 = tpu.vector_load %arg8[%swap3A_283] {strides = array<i32>} : memref<4128xf32, #tpu.memory_space<vmem>>, vector<16xf32>,
    tpu.vector_store %arg8[%swap3A_283], %get3A_282 {strides = array<i32>} : memref<4128xf32, #tpu.memory_space<vmem>>, vector<16xf32>,
    %get3A_285 = arith.constant 2 : i32
    %get3A_286 = arith.index_cast %get3A_285 : i32 to index
    %get3A_287 = arith.constant 0 : index
    %get3A_288 = tpu.vector_load %arg7[%get3A_286, %get3A_287] {strides = array<i32>} : memref<16x256xf32, #tpu.memory_space<vmem>>, vector<16xf32>,
    %swap3A_289 = arith.constant 516 : index
    %swap3A_290 = tpu.vector_load %arg8[%swap3A_289] {strides = array<i32>} : memref<4128xf32, #tpu.memory_space<vmem>>, vector<16xf32>,
    tpu.vector_store %arg8[%swap3A_289], %get3A_288 {strides = array<i32>} : memref<4128xf32, #tpu.memory_space<vmem>>, vector<16xf32>,
    %get3A_291 = arith.constant 2 : i32
    %get3A_292 = arith.index_cast %get3A_291 : i32 to index
    %get3A_293 = arith.constant 16 : index
    %get3A_294 = tpu.vector_load %arg7[%get3A_292, %get3A_293] {strides = array<i32>} : memref<16x256xf32, #tpu.memory_space<vmem>>, vector<16xf32>,
    %swap3A_295 = arith.constant 532 : index
    %swap3A_296 = tpu.vector_load %arg8[%swap3A_295] {strides = array<i32>} : memref<4128xf32, #tpu.memory_space<vmem>>, vector<16xf32>,
    tpu.vector_store %arg8[%swap3A_295], %get3A_294 {strides = array<i32>} : memref<4128xf32, #tpu.memory_space<vmem>>, vector<16xf32>,
    %get3A_297 = arith.constant 2 : i32
    %get3A_298 = arith.index_cast %get3A_297 : i32 to index
    %get3A_299 = arith.constant 32 : index
    %get3A_300 = tpu.vector_load %arg7[%get3A_298, %get3A_299] {strides = array<i32>} : memref<16x256xf32, #tpu.memory_space<vmem>>, vector<16xf32>,
    %swap3A_301 = arith.constant 548 : index
    %swap3A_302 = tpu.vector_load %arg8[%swap3A_301] {strides = array<i32>} : memref<4128xf32, #tpu.memory_space<vmem>>, vector<16xf32>,
    tpu.vector_store %arg8[%swap3A_301], %get3A_300 {strides = array<i32>} : memref<4128xf32, #tpu.memory_space<vmem>>, vector<16xf32>,
    %get3A_303 = arith.constant 2 : i32
    %get3A_304 = arith.index_cast %get3A_303 : i32 to index
    %get3A_305 = arith.constant 48 : index
    %get3A_306 = tpu.vector_load %arg7[%get3A_304, %get3A_305] {strides = array<i32>} : memref<16x256xf32, #tpu.memory_space<vmem>>, vector<16xf32>,
    %swap3A_307 = arith.constant 564 : index
    %swap3A_308 = tpu.vector_load %arg8[%swap3A_307] {strides = array<i32>} : memref<4128xf32, #tpu.memory_space<vmem>>, vector<16xf32>,
    tpu.vector_store %arg8[%swap3A_307], %get3A_306 {strides = array<i32>} : memref<4128xf32, #tpu.memory_space<vmem>>, vector<16xf32>,
    %get3A_309 = arith.constant 2 : i32
    %get3A_310 = arith.index_cast %get3A_309 : i32 to index
    %get3A_311 = arith.constant 64 : index
    %get3A_312 = tpu.vector_load %arg7[%get3A_310, %get3A_311] {strides = array<i32>} : memref<16x256xf32, #tpu.memory_space<vmem>>, vector<16xf32>,
    %swap3A_313 = arith.constant 580 : index
    %swap3A_314 = tpu.vector_load %arg8[%swap3A_313] {strides = array<i32>} : memref<4128xf32, #tpu.memory_space<vmem>>, vector<16xf32>,
    tpu.vector_store %arg8[%swap3A_313], %get3A_312 {strides = array<i32>} : memref<4128xf32, #tpu.memory_space<vmem>>, vector<16xf32>,
    %get3A_315 = arith.constant 2 : i32
    %get3A_316 = arith.index_cast %get3A_315 : i32 to index
    %get3A_317 = arith.constant 80 : index
    %get3A_318 = tpu.vector_load %arg7[%get3A_316, %get3A_317] {strides = array<i32>} : memref<16x256xf32, #tpu.memory_space<vmem>>, vector<16xf32>,
    %swap3A_319 = arith.constant 596 : index
    %swap3A_320 = tpu.vector_load %arg8[%swap3A_319] {strides = array<i32>} : memref<4128xf32, #tpu.memory_space<vmem>>, vector<16xf32>,
    tpu.vector_store %arg8[%swap3A_319], %get3A_318 {strides = array<i32>} : memref<4128xf32, #tpu.memory_space<vmem>>, vector<16xf32>,
    %get3A_321 = arith.constant 2 : i32
    %get3A_322 = arith.index_cast %get3A_321 : i32 to index
    %get3A_323 = arith.constant 96 : index
    %get3A_324 = tpu.vector_load %arg7[%get3A_322, %get3A_323] {strides = array<i32>} : memref<16x256xf32, #tpu.memory_space<vmem>>, vector<16xf32>,
    %swap3A_325 = arith.constant 612 : index
    %swap3A_326 = tpu.vector_load %arg8[%swap3A_325] {strides = array<i32>} : memref<4128xf32, #tpu.memory_space<vmem>>, vector<16xf32>,
    tpu.vector_store %arg8[%swap3A_325], %get3A_324 {strides = array<i32>} : memref<4128xf32, #tpu.memory_space<vmem>>, vector<16xf32>,
    %get3A_327 = arith.constant 2 : i32
    %get3A_328 = arith.index_cast %get3A_327 : i32 to index
    %get3A_329 = arith.constant 112 : index
    %get3A_330 = tpu.vector_load %arg7[%get3A_328, %get3A_329] {strides = array<i32>} : memref<16x256xf32, #tpu.memory_space<vmem>>, vector<16xf32>,
    %swap3A_331 = arith.constant 628 : index
    %swap3A_332 = tpu.vector_load %arg8[%swap3A_331] {strides = array<i32>} : memref<4128xf32, #tpu.memory_space<vmem>>, vector<16xf32>,
    tpu.vector_store %arg8[%swap3A_331], %get3A_330 {strides = array<i32>} : memref<4128xf32, #tpu.memory_space<vmem>>, vector<16xf32>,
    %get3A_333 = arith.constant 2 : i32
    %get3A_334 = arith.index_cast %get3A_333 : i32 to index
    %get3A_335 = arith.constant 128 : index
    %get3A_336 = tpu.vector_load %arg7[%get3A_334, %get3A_335] {strides = array<i32>} : memref<16x256xf32, #tpu.memory_space<vmem>>, vector<16xf32>,
    %swap3A_337 = arith.constant 644 : index
    %swap3A_338 = tpu.vector_load %arg8[%swap3A_337] {strides = array<i32>} : memref<4128xf32, #tpu.memory_space<vmem>>, vector<16xf32>,
    tpu.vector_store %arg8[%swap3A_337], %get3A_336 {strides = array<i32>} : memref<4128xf32, #tpu.memory_space<vmem>>, vector<16xf32>,
    %get3A_339 = arith.constant 2 : i32
    %get3A_340 = arith.index_cast %get3A_339 : i32 to index
    %get3A_341 = arith.constant 144 : index
    %get3A_342 = tpu.vector_load %arg7[%get3A_340, %get3A_341] {strides = array<i32>} : memref<16x256xf32, #tpu.memory_space<vmem>>, vector<16xf32>,
    %swap3A_343 = arith.constant 660 : index
    %swap3A_344 = tpu.vector_load %arg8[%swap3A_343] {strides = array<i32>} : memref<4128xf32, #tpu.memory_space<vmem>>, vector<16xf32>,
    tpu.vector_store %arg8[%swap3A_343], %get3A_342 {strides = array<i32>} : memref<4128xf32, #tpu.memory_space<vmem>>, vector<16xf32>,
    %get3A_345 = arith.constant 2 : i32
    %get3A_346 = arith.index_cast %get3A_345 : i32 to index
    %get3A_347 = arith.constant 160 : index
    %get3A_348 = tpu.vector_load %arg7[%get3A_346, %get3A_347] {strides = array<i32>} : memref<16x256xf32, #tpu.memory_space<vmem>>, vector<16xf32>,
    %swap3A_349 = arith.constant 676 : index
    %swap3A_350 = tpu.vector_load %arg8[%swap3A_349] {strides = array<i32>} : memref<4128xf32, #tpu.memory_space<vmem>>, vector<16xf32>,
    tpu.vector_store %arg8[%swap3A_349], %get3A_348 {strides = array<i32>} : memref<4128xf32, #tpu.memory_space<vmem>>, vector<16xf32>,
    %get3A_351 = arith.constant 2 : i32
    %get3A_352 = arith.index_cast %get3A_351 : i32 to index
    %get3A_353 = arith.constant 176 : index
    %get3A_354 = tpu.vector_load %arg7[%get3A_352, %get3A_353] {strides = array<i32>} : memref<16x256xf32, #tpu.memory_space<vmem>>, vector<16xf32>,
    %swap3A_355 = arith.constant 692 : index
    %swap3A_356 = tpu.vector_load %arg8[%swap3A_355] {strides = array<i32>} : memref<4128xf32, #tpu.memory_space<vmem>>, vector<16xf32>,
    tpu.vector_store %arg8[%swap3A_355], %get3A_354 {strides = array<i32>} : memref<4128xf32, #tpu.memory_space<vmem>>, vector<16xf32>,
    %get3A_357 = arith.constant 2 : i32
    %get3A_358 = arith.index_cast %get3A_357 : i32 to index
    %get3A_359 = arith.constant 192 : index
    %get3A_360 = tpu.vector_load %arg7[%get3A_358, %get3A_359] {strides = array<i32>} : memref<16x256xf32, #tpu.memory_space<vmem>>, vector<16xf32>,
    %swap3A_361 = arith.constant 708 : index
    %swap3A_362 = tpu.vector_load %arg8[%swap3A_361] {strides = array<i32>} : memref<4128xf32, #tpu.memory_space<vmem>>, vector<16xf32>,
    tpu.vector_store %arg8[%swap3A_361], %get3A_360 {strides = array<i32>} : memref<4128xf32, #tpu.memory_space<vmem>>, vector<16xf32>,
    %get3A_363 = arith.constant 2 : i32
    %get3A_364 = arith.index_cast %get3A_363 : i32 to index
    %get3A_365 = arith.constant 208 : index
    %get3A_366 = tpu.vector_load %arg7[%get3A_364, %get3A_365] {strides = array<i32>} : memref<16x256xf32, #tpu.memory_space<vmem>>, vector<16xf32>,
    %swap3A_367 = arith.constant 724 : index
    %swap3A_368 = tpu.vector_load %arg8[%swap3A_367] {strides = array<i32>} : memref<4128xf32, #tpu.memory_space<vmem>>, vector<16xf32>,
    tpu.vector_store %arg8[%swap3A_367], %get3A_366 {strides = array<i32>} : memref<4128xf32, #tpu.memory_space<vmem>>, vector<16xf32>,
    %get3A_369 = arith.constant 2 : i32
    %get3A_370 = arith.index_cast %get3A_369 : i32 to index
    %get3A_371 = arith.constant 224 : index
    %get3A_372 = tpu.vector_load %arg7[%get3A_370, %get3A_371] {strides = array<i32>} : memref<16x256xf32, #tpu.memory_space<vmem>>, vector<16xf32>,
    %swap3A_373 = arith.constant 740 : index
    %swap3A_374 = tpu.vector_load %arg8[%swap3A_373] {strides = array<i32>} : memref<4128xf32, #tpu.memory_space<vmem>>, vector<16xf32>,
    tpu.vector_store %arg8[%swap3A_373], %get3A_372 {strides = array<i32>} : memref<4128xf32, #tpu.memory_space<vmem>>, vector<16xf32>,
    %get3A_375 = arith.constant 2 : i32
    %get3A_376 = arith.index_cast %get3A_375 : i32 to index
    %get3A_377 = arith.constant 240 : index
    %get3A_378 = tpu.vector_load %arg7[%get3A_376, %get3A_377] {strides = array<i32>} : memref<16x256xf32, #tpu.memory_space<vmem>>, vector<16xf32>,
    %swap3A_379 = arith.constant 756 : index
    %swap3A_380 = tpu.vector_load %arg8[%swap3A_379] {strides = array<i32>} : memref<4128xf32, #tpu.memory_space<vmem>>, vector<16xf32>,
    tpu.vector_store %arg8[%swap3A_379], %get3A_378 {strides = array<i32>} : memref<4128xf32, #tpu.memory_space<vmem>>, vector<16xf32>,
    %get3A_381 = arith.constant 3 : i32
    %get3A_382 = arith.index_cast %get3A_381 : i32 to index
    %get3A_383 = arith.constant 0 : index
    %get3A_384 = tpu.vector_load %arg7[%get3A_382, %get3A_383] {strides = array<i32>} : memref<16x256xf32, #tpu.memory_space<vmem>>, vector<16xf32>,
    %swap3A_385 = arith.constant 774 : index
    %swap3A_386 = tpu.vector_load %arg8[%swap3A_385] {strides = array<i32>} : memref<4128xf32, #tpu.memory_space<vmem>>, vector<16xf32>,
    tpu.vector_store %arg8[%swap3A_385], %get3A_384 {strides = array<i32>} : memref<4128xf32, #tpu.memory_space<vmem>>, vector<16xf32>,
    %get3A_387 = arith.constant 3 : i32
    %get3A_388 = arith.index_cast %get3A_387 : i32 to index
    %get3A_389 = arith.constant 16 : index
    %get3A_390 = tpu.vector_load %arg7[%get3A_388, %get3A_389] {strides = array<i32>} : memref<16x256xf32, #tpu.memory_space<vmem>>, vector<16xf32>,
    %swap3A_391 = arith.constant 790 : index
    %swap3A_392 = tpu.vector_load %arg8[%swap3A_391] {strides = array<i32>} : memref<4128xf32, #tpu.memory_space<vmem>>, vector<16xf32>,
    tpu.vector_store %arg8[%swap3A_391], %get3A_390 {strides = array<i32>} : memref<4128xf32, #tpu.memory_space<vmem>>, vector<16xf32>,
    %get3A_393 = arith.constant 3 : i32
    %get3A_394 = arith.index_cast %get3A_393 : i32 to index
    %get3A_395 = arith.constant 32 : index
    %get3A_396 = tpu.vector_load %arg7[%get3A_394, %get3A_395] {strides = array<i32>} : memref<16x256xf32, #tpu.memory_space<vmem>>, vector<16xf32>,
    %swap3A_397 = arith.constant 806 : index
    %swap3A_398 = tpu.vector_load %arg8[%swap3A_397] {strides = array<i32>} : memref<4128xf32, #tpu.memory_space<vmem>>, vector<16xf32>,
    tpu.vector_store %arg8[%swap3A_397], %get3A_396 {strides = array<i32>} : memref<4128xf32, #tpu.memory_space<vmem>>, vector<16xf32>,
    %get3A_399 = arith.constant 3 : i32
    %get3A_400 = arith.index_cast %get3A_399 : i32 to index
    %get3A_401 = arith.constant 48 : index
    %get3A_402 = tpu.vector_load %arg7[%get3A_400, %get3A_401] {strides = array<i32>} : memref<16x256xf32, #tpu.memory_space<vmem>>, vector<16xf32>,
    %swap3A_403 = arith.constant 822 : index
    %swap3A_404 = tpu.vector_load %arg8[%swap3A_403] {strides = array<i32>} : memref<4128xf32, #tpu.memory_space<vmem>>, vector<16xf32>,
    tpu.vector_store %arg8[%swap3A_403], %get3A_402 {strides = array<i32>} : memref<4128xf32, #tpu.memory_space<vmem>>, vector<16xf32>,
    %get3A_405 = arith.constant 3 : i32
    %get3A_406 = arith.index_cast %get3A_405 : i32 to index
    %get3A_407 = arith.constant 64 : index
    %get3A_408 = tpu.vector_load %arg7[%get3A_406, %get3A_407] {strides = array<i32>} : memref<16x256xf32, #tpu.memory_space<vmem>>, vector<16xf32>,
    %swap3A_409 = arith.constant 838 : index
    %swap3A_410 = tpu.vector_load %arg8[%swap3A_409] {strides = array<i32>} : memref<4128xf32, #tpu.memory_space<vmem>>, vector<16xf32>,
    tpu.vector_store %arg8[%swap3A_409], %get3A_408 {strides = array<i32>} : memref<4128xf32, #tpu.memory_space<vmem>>, vector<16xf32>,
    %get3A_411 = arith.constant 3 : i32
    %get3A_412 = arith.index_cast %get3A_411 : i32 to index
    %get3A_413 = arith.constant 80 : index
    %get3A_414 = tpu.vector_load %arg7[%get3A_412, %get3A_413] {strides = array<i32>} : memref<16x256xf32, #tpu.memory_space<vmem>>, vector<16xf32>,
    %swap3A_415 = arith.constant 854 : index
    %swap3A_416 = tpu.vector_load %arg8[%swap3A_415] {strides = array<i32>} : memref<4128xf32, #tpu.memory_space<vmem>>, vector<16xf32>,
    tpu.vector_store %arg8[%swap3A_415], %get3A_414 {strides = array<i32>} : memref<4128xf32, #tpu.memory_space<vmem>>, vector<16xf32>,
    %get3A_417 = arith.constant 3 : i32
    %get3A_418 = arith.index_cast %get3A_417 : i32 to index
    %get3A_419 = arith.constant 96 : index
    %get3A_420 = tpu.vector_load %arg7[%get3A_418, %get3A_419] {strides = array<i32>} : memref<16x256xf32, #tpu.memory_space<vmem>>, vector<16xf32>,
    %swap3A_421 = arith.constant 870 : index
    %swap3A_422 = tpu.vector_load %arg8[%swap3A_421] {strides = array<i32>} : memref<4128xf32, #tpu.memory_space<vmem>>, vector<16xf32>,
    tpu.vector_store %arg8[%swap3A_421], %get3A_420 {strides = array<i32>} : memref<4128xf32, #tpu.memory_space<vmem>>, vector<16xf32>,
    %get3A_423 = arith.constant 3 : i32
    %get3A_424 = arith.index_cast %get3A_423 : i32 to index
    %get3A_425 = arith.constant 112 : index
    %get3A_426 = tpu.vector_load %arg7[%get3A_424, %get3A_425] {strides = array<i32>} : memref<16x256xf32, #tpu.memory_space<vmem>>, vector<16xf32>,
    %swap3A_427 = arith.constant 886 : index
    %swap3A_428 = tpu.vector_load %arg8[%swap3A_427] {strides = array<i32>} : memref<4128xf32, #tpu.memory_space<vmem>>, vector<16xf32>,
    tpu.vector_store %arg8[%swap3A_427], %get3A_426 {strides = array<i32>} : memref<4128xf32, #tpu.memory_space<vmem>>, vector<16xf32>,
    %get3A_429 = arith.constant 3 : i32
    %get3A_430 = arith.index_cast %get3A_429 : i32 to index
    %get3A_431 = arith.constant 128 : index
    %get3A_432 = tpu.vector_load %arg7[%get3A_430, %get3A_431] {strides = array<i32>} : memref<16x256xf32, #tpu.memory_space<vmem>>, vector<16xf32>,
    %swap3A_433 = arith.constant 902 : index
    %swap3A_434 = tpu.vector_load %arg8[%swap3A_433] {strides = array<i32>} : memref<4128xf32, #tpu.memory_space<vmem>>, vector<16xf32>,
    tpu.vector_store %arg8[%swap3A_433], %get3A_432 {strides = array<i32>} : memref<4128xf32, #tpu.memory_space<vmem>>, vector<16xf32>,
    %get3A_435 = arith.constant 3 : i32
    %get3A_436 = arith.index_cast %get3A_435 : i32 to index
    %get3A_437 = arith.constant 144 : index
    %get3A_438 = tpu.vector_load %arg7[%get3A_436, %get3A_437] {strides = array<i32>} : memref<16x256xf32, #tpu.memory_space<vmem>>, vector<16xf32>,
    %swap3A_439 = arith.constant 918 : index
    %swap3A_440 = tpu.vector_load %arg8[%swap3A_439] {strides = array<i32>} : memref<4128xf32, #tpu.memory_space<vmem>>, vector<16xf32>,
    tpu.vector_store %arg8[%swap3A_439], %get3A_438 {strides = array<i32>} : memref<4128xf32, #tpu.memory_space<vmem>>, vector<16xf32>,
    %get3A_441 = arith.constant 3 : i32
    %get3A_442 = arith.index_cast %get3A_441 : i32 to index
    %get3A_443 = arith.constant 160 : index
    %get3A_444 = tpu.vector_load %arg7[%get3A_442, %get3A_443] {strides = array<i32>} : memref<16x256xf32, #tpu.memory_space<vmem>>, vector<16xf32>,
    %swap3A_445 = arith.constant 934 : index
    %swap3A_446 = tpu.vector_load %arg8[%swap3A_445] {strides = array<i32>} : memref<4128xf32, #tpu.memory_space<vmem>>, vector<16xf32>,
    tpu.vector_store %arg8[%swap3A_445], %get3A_444 {strides = array<i32>} : memref<4128xf32, #tpu.memory_space<vmem>>, vector<16xf32>,
    %get3A_447 = arith.constant 3 : i32
    %get3A_448 = arith.index_cast %get3A_447 : i32 to index
    %get3A_449 = arith.constant 176 : index
    %get3A_450 = tpu.vector_load %arg7[%get3A_448, %get3A_449] {strides = array<i32>} : memref<16x256xf32, #tpu.memory_space<vmem>>, vector<16xf32>,
    %swap3A_451 = arith.constant 950 : index
    %swap3A_452 = tpu.vector_load %arg8[%swap3A_451] {strides = array<i32>} : memref<4128xf32, #tpu.memory_space<vmem>>, vector<16xf32>,
    tpu.vector_store %arg8[%swap3A_451], %get3A_450 {strides = array<i32>} : memref<4128xf32, #tpu.memory_space<vmem>>, vector<16xf32>,
    %get3A_453 = arith.constant 3 : i32
    %get3A_454 = arith.index_cast %get3A_453 : i32 to index
    %get3A_455 = arith.constant 192 : index
    %get3A_456 = tpu.vector_load %arg7[%get3A_454, %get3A_455] {strides = array<i32>} : memref<16x256xf32, #tpu.memory_space<vmem>>, vector<16xf32>,
    %swap3A_457 = arith.constant 966 : index
    %swap3A_458 = tpu.vector_load %arg8[%swap3A_457] {strides = array<i32>} : memref<4128xf32, #tpu.memory_space<vmem>>, vector<16xf32>,
    tpu.vector_store %arg8[%swap3A_457], %get3A_456 {strides = array<i32>} : memref<4128xf32, #tpu.memory_space<vmem>>, vector<16xf32>,
    %get3A_459 = arith.constant 3 : i32
    %get3A_460 = arith.index_cast %get3A_459 : i32 to index
    %get3A_461 = arith.constant 208 : index
    %get3A_462 = tpu.vector_load %arg7[%get3A_460, %get3A_461] {strides = array<i32>} : memref<16x256xf32, #tpu.memory_space<vmem>>, vector<16xf32>,
    %swap3A_463 = arith.constant 982 : index
    %swap3A_464 = tpu.vector_load %arg8[%swap3A_463] {strides = array<i32>} : memref<4128xf32, #tpu.memory_space<vmem>>, vector<16xf32>,
    tpu.vector_store %arg8[%swap3A_463], %get3A_462 {strides = array<i32>} : memref<4128xf32, #tpu.memory_space<vmem>>, vector<16xf32>,
    %get3A_465 = arith.constant 3 : i32
    %get3A_466 = arith.index_cast %get3A_465 : i32 to index
    %get3A_467 = arith.constant 224 : index
    %get3A_468 = tpu.vector_load %arg7[%get3A_466, %get3A_467] {strides = array<i32>} : memref<16x256xf32, #tpu.memory_space<vmem>>, vector<16xf32>,
    %swap3A_469 = arith.constant 998 : index
    %swap3A_470 = tpu.vector_load %arg8[%swap3A_469] {strides = array<i32>} : memref<4128xf32, #tpu.memory_space<vmem>>, vector<16xf32>,
    tpu.vector_store %arg8[%swap3A_469], %get3A_468 {strides = array<i32>} : memref<4128xf32, #tpu.memory_space<vmem>>, vector<16xf32>,
    %get3A_471 = arith.constant 3 : i32
    %get3A_472 = arith.index_cast %get3A_471 : i32 to index
    %get3A_473 = arith.constant 240 : index
    %get3A_474 = tpu.vector_load %arg7[%get3A_472, %get3A_473] {strides = array<i32>} : memref<16x256xf32, #tpu.memory_space<vmem>>, vector<16xf32>,
    %swap3A_475 = arith.constant 1014 : index
    %swap3A_476 = tpu.vector_load %arg8[%swap3A_475] {strides = array<i32>} : memref<4128xf32, #tpu.memory_space<vmem>>, vector<16xf32>,
    tpu.vector_store %arg8[%swap3A_475], %get3A_474 {strides = array<i32>} : memref<4128xf32, #tpu.memory_space<vmem>>, vector<16xf32>,
    %get3A_477 = arith.constant 4 : i32
    %get3A_478 = arith.index_cast %get3A_477 : i32 to index
    %get3A_479 = arith.constant 0 : index
    %get3A_480 = tpu.vector_load %arg7[%get3A_478, %get3A_479] {strides = array<i32>} : memref<16x256xf32, #tpu.memory_space<vmem>>, vector<16xf32>,
    %swap3A_481 = arith.constant 1032 : index
    %swap3A_482 = tpu.vector_load %arg8[%swap3A_481] {strides = array<i32>} : memref<4128xf32, #tpu.memory_space<vmem>>, vector<16xf32>,
    tpu.vector_store %arg8[%swap3A_481], %get3A_480 {strides = array<i32>} : memref<4128xf32, #tpu.memory_space<vmem>>, vector<16xf32>,
    %get3A_483 = arith.constant 4 : i32
    %get3A_484 = arith.index_cast %get3A_483 : i32 to index
    %get3A_485 = arith.constant 16 : index
    %get3A_486 = tpu.vector_load %arg7[%get3A_484, %get3A_485] {strides = array<i32>} : memref<16x256xf32, #tpu.memory_space<vmem>>, vector<16xf32>,
    %swap3A_487 = arith.constant 1048 : index
    %swap3A_488 = tpu.vector_load %arg8[%swap3A_487] {strides = array<i32>} : memref<4128xf32, #tpu.memory_space<vmem>>, vector<16xf32>,
    tpu.vector_store %arg8[%swap3A_487], %get3A_486 {strides = array<i32>} : memref<4128xf32, #tpu.memory_space<vmem>>, vector<16xf32>,
    %get3A_489 = arith.constant 4 : i32
    %get3A_490 = arith.index_cast %get3A_489 : i32 to index
    %get3A_491 = arith.constant 32 : index
    %get3A_492 = tpu.vector_load %arg7[%get3A_490, %get3A_491] {strides = array<i32>} : memref<16x256xf32, #tpu.memory_space<vmem>>, vector<16xf32>,
    %swap3A_493 = arith.constant 1064 : index
    %swap3A_494 = tpu.vector_load %arg8[%swap3A_493] {strides = array<i32>} : memref<4128xf32, #tpu.memory_space<vmem>>, vector<16xf32>,
    tpu.vector_store %arg8[%swap3A_493], %get3A_492 {strides = array<i32>} : memref<4128xf32, #tpu.memory_space<vmem>>, vector<16xf32>,
    %get3A_495 = arith.constant 4 : i32
    %get3A_496 = arith.index_cast %get3A_495 : i32 to index
    %get3A_497 = arith.constant 48 : index
    %get3A_498 = tpu.vector_load %arg7[%get3A_496, %get3A_497] {strides = array<i32>} : memref<16x256xf32, #tpu.memory_space<vmem>>, vector<16xf32>,
    %swap3A_499 = arith.constant 1080 : index
    %swap3A_500 = tpu.vector_load %arg8[%swap3A_499] {strides = array<i32>} : memref<4128xf32, #tpu.memory_space<vmem>>, vector<16xf32>,
    tpu.vector_store %arg8[%swap3A_499], %get3A_498 {strides = array<i32>} : memref<4128xf32, #tpu.memory_space<vmem>>, vector<16xf32>,
    %get3A_501 = arith.constant 4 : i32
    %get3A_502 = arith.index_cast %get3A_501 : i32 to index
    %get3A_503 = arith.constant 64 : index
    %get3A_504 = tpu.vector_load %arg7[%get3A_502, %get3A_503] {strides = array<i32>} : memref<16x256xf32, #tpu.memory_space<vmem>>, vector<16xf32>,
    %swap3A_505 = arith.constant 1096 : index
    %swap3A_506 = tpu.vector_load %arg8[%swap3A_505] {strides = array<i32>} : memref<4128xf32, #tpu.memory_space<vmem>>, vector<16xf32>,
    tpu.vector_store %arg8[%swap3A_505], %get3A_504 {strides = array<i32>} : memref<4128xf32, #tpu.memory_space<vmem>>, vector<16xf32>,
    %get3A_507 = arith.constant 4 : i32
    %get3A_508 = arith.index_cast %get3A_507 : i32 to index
    %get3A_509 = arith.constant 80 : index
    %get3A_510 = tpu.vector_load %arg7[%get3A_508, %get3A_509] {strides = array<i32>} : memref<16x256xf32, #tpu.memory_space<vmem>>, vector<16xf32>,
    %swap3A_511 = arith.constant 1112 : index
    %swap3A_512 = tpu.vector_load %arg8[%swap3A_511] {strides = array<i32>} : memref<4128xf32, #tpu.memory_space<vmem>>, vector<16xf32>,
    tpu.vector_store %arg8[%swap3A_511], %get3A_510 {strides = array<i32>} : memref<4128xf32, #tpu.memory_space<vmem>>, vector<16xf32>,
    %get3A_513 = arith.constant 4 : i32
    %get3A_514 = arith.index_cast %get3A_513 : i32 to index
    %get3A_515 = arith.constant 96 : index
    %get3A_516 = tpu.vector_load %arg7[%get3A_514, %get3A_515] {strides = array<i32>} : memref<16x256xf32, #tpu.memory_space<vmem>>, vector<16xf32>,
    %swap3A_517 = arith.constant 1128 : index
    %swap3A_518 = tpu.vector_load %arg8[%swap3A_517] {strides = array<i32>} : memref<4128xf32, #tpu.memory_space<vmem>>, vector<16xf32>,
    tpu.vector_store %arg8[%swap3A_517], %get3A_516 {strides = array<i32>} : memref<4128xf32, #tpu.memory_space<vmem>>, vector<16xf32>,
    %get3A_519 = arith.constant 4 : i32
    %get3A_520 = arith.index_cast %get3A_519 : i32 to index
    %get3A_521 = arith.constant 112 : index
    %get3A_522 = tpu.vector_load %arg7[%get3A_520, %get3A_521] {strides = array<i32>} : memref<16x256xf32, #tpu.memory_space<vmem>>, vector<16xf32>,
    %swap3A_523 = arith.constant 1144 : index
    %swap3A_524 = tpu.vector_load %arg8[%swap3A_523] {strides = array<i32>} : memref<4128xf32, #tpu.memory_space<vmem>>, vector<16xf32>,
    tpu.vector_store %arg8[%swap3A_523], %get3A_522 {strides = array<i32>} : memref<4128xf32, #tpu.memory_space<vmem>>, vector<16xf32>,
    %get3A_525 = arith.constant 4 : i32
    %get3A_526 = arith.index_cast %get3A_525 : i32 to index
    %get3A_527 = arith.constant 128 : index
    %get3A_528 = tpu.vector_load %arg7[%get3A_526, %get3A_527] {strides = array<i32>} : memref<16x256xf32, #tpu.memory_space<vmem>>, vector<16xf32>,
    %swap3A_529 = arith.constant 1160 : index
    %swap3A_530 = tpu.vector_load %arg8[%swap3A_529] {strides = array<i32>} : memref<4128xf32, #tpu.memory_space<vmem>>, vector<16xf32>,
    tpu.vector_store %arg8[%swap3A_529], %get3A_528 {strides = array<i32>} : memref<4128xf32, #tpu.memory_space<vmem>>, vector<16xf32>,
    %get3A_531 = arith.constant 4 : i32
    %get3A_532 = arith.index_cast %get3A_531 : i32 to index
    %get3A_533 = arith.constant 144 : index
    %get3A_534 = tpu.vector_load %arg7[%get3A_532, %get3A_533] {strides = array<i32>} : memref<16x256xf32, #tpu.memory_space<vmem>>, vector<16xf32>,
    %swap3A_535 = arith.constant 1176 : index
    %swap3A_536 = tpu.vector_load %arg8[%swap3A_535] {strides = array<i32>} : memref<4128xf32, #tpu.memory_space<vmem>>, vector<16xf32>,
    tpu.vector_store %arg8[%swap3A_535], %get3A_534 {strides = array<i32>} : memref<4128xf32, #tpu.memory_space<vmem>>, vector<16xf32>,
    %get3A_537 = arith.constant 4 : i32
    %get3A_538 = arith.index_cast %get3A_537 : i32 to index
    %get3A_539 = arith.constant 160 : index
    %get3A_540 = tpu.vector_load %arg7[%get3A_538, %get3A_539] {strides = array<i32>} : memref<16x256xf32, #tpu.memory_space<vmem>>, vector<16xf32>,
    %swap3A_541 = arith.constant 1192 : index
    %swap3A_542 = tpu.vector_load %arg8[%swap3A_541] {strides = array<i32>} : memref<4128xf32, #tpu.memory_space<vmem>>, vector<16xf32>,
    tpu.vector_store %arg8[%swap3A_541], %get3A_540 {strides = array<i32>} : memref<4128xf32, #tpu.memory_space<vmem>>, vector<16xf32>,
    %get3A_543 = arith.constant 4 : i32
    %get3A_544 = arith.index_cast %get3A_543 : i32 to index
    %get3A_545 = arith.constant 176 : index
    %get3A_546 = tpu.vector_load %arg7[%get3A_544, %get3A_545] {strides = array<i32>} : memref<16x256xf32, #tpu.memory_space<vmem>>, vector<16xf32>,
    %swap3A_547 = arith.constant 1208 : index
    %swap3A_548 = tpu.vector_load %arg8[%swap3A_547] {strides = array<i32>} : memref<4128xf32, #tpu.memory_space<vmem>>, vector<16xf32>,
    tpu.vector_store %arg8[%swap3A_547], %get3A_546 {strides = array<i32>} : memref<4128xf32, #tpu.memory_space<vmem>>, vector<16xf32>,
    %get3A_549 = arith.constant 4 : i32
    %get3A_550 = arith.index_cast %get3A_549 : i32 to index
    %get3A_551 = arith.constant 192 : index
    %get3A_552 = tpu.vector_load %arg7[%get3A_550, %get3A_551] {strides = array<i32>} : memref<16x256xf32, #tpu.memory_space<vmem>>, vector<16xf32>,
    %swap3A_553 = arith.constant 1224 : index
    %swap3A_554 = tpu.vector_load %arg8[%swap3A_553] {strides = array<i32>} : memref<4128xf32, #tpu.memory_space<vmem>>, vector<16xf32>,
    tpu.vector_store %arg8[%swap3A_553], %get3A_552 {strides = array<i32>} : memref<4128xf32, #tpu.memory_space<vmem>>, vector<16xf32>,
    %get3A_555 = arith.constant 4 : i32
    %get3A_556 = arith.index_cast %get3A_555 : i32 to index
    %get3A_557 = arith.constant 208 : index
    %get3A_558 = tpu.vector_load %arg7[%get3A_556, %get3A_557] {strides = array<i32>} : memref<16x256xf32, #tpu.memory_space<vmem>>, vector<16xf32>,
    %swap3A_559 = arith.constant 1240 : index
    %swap3A_560 = tpu.vector_load %arg8[%swap3A_559] {strides = array<i32>} : memref<4128xf32, #tpu.memory_space<vmem>>, vector<16xf32>,
    tpu.vector_store %arg8[%swap3A_559], %get3A_558 {strides = array<i32>} : memref<4128xf32, #tpu.memory_space<vmem>>, vector<16xf32>,
    %get3A_561 = arith.constant 4 : i32
    %get3A_562 = arith.index_cast %get3A_561 : i32 to index
    %get3A_563 = arith.constant 224 : index
    %get3A_564 = tpu.vector_load %arg7[%get3A_562, %get3A_563] {strides = array<i32>} : memref<16x256xf32, #tpu.memory_space<vmem>>, vector<16xf32>,
    %swap3A_565 = arith.constant 1256 : index
    %swap3A_566 = tpu.vector_load %arg8[%swap3A_565] {strides = array<i32>} : memref<4128xf32, #tpu.memory_space<vmem>>, vector<16xf32>,
    tpu.vector_store %arg8[%swap3A_565], %get3A_564 {strides = array<i32>} : memref<4128xf32, #tpu.memory_space<vmem>>, vector<16xf32>,
    %get3A_567 = arith.constant 4 : i32
    %get3A_568 = arith.index_cast %get3A_567 : i32 to index
    %get3A_569 = arith.constant 240 : index
    %get3A_570 = tpu.vector_load %arg7[%get3A_568, %get3A_569] {strides = array<i32>} : memref<16x256xf32, #tpu.memory_space<vmem>>, vector<16xf32>,
    %swap3A_571 = arith.constant 1272 : index
    %swap3A_572 = tpu.vector_load %arg8[%swap3A_571] {strides = array<i32>} : memref<4128xf32, #tpu.memory_space<vmem>>, vector<16xf32>,
    tpu.vector_store %arg8[%swap3A_571], %get3A_570 {strides = array<i32>} : memref<4128xf32, #tpu.memory_space<vmem>>, vector<16xf32>,
    %get3A_573 = arith.constant 5 : i32
    %get3A_574 = arith.index_cast %get3A_573 : i32 to index
    %get3A_575 = arith.constant 0 : index
    %get3A_576 = tpu.vector_load %arg7[%get3A_574, %get3A_575] {strides = array<i32>} : memref<16x256xf32, #tpu.memory_space<vmem>>, vector<16xf32>,
    %swap3A_577 = arith.constant 1290 : index
    %swap3A_578 = tpu.vector_load %arg8[%swap3A_577] {strides = array<i32>} : memref<4128xf32, #tpu.memory_space<vmem>>, vector<16xf32>,
    tpu.vector_store %arg8[%swap3A_577], %get3A_576 {strides = array<i32>} : memref<4128xf32, #tpu.memory_space<vmem>>, vector<16xf32>,
    %get3A_579 = arith.constant 5 : i32
    %get3A_580 = arith.index_cast %get3A_579 : i32 to index
    %get3A_581 = arith.constant 16 : index
    %get3A_582 = tpu.vector_load %arg7[%get3A_580, %get3A_581] {strides = array<i32>} : memref<16x256xf32, #tpu.memory_space<vmem>>, vector<16xf32>,
    %swap3A_583 = arith.constant 1306 : index
    %swap3A_584 = tpu.vector_load %arg8[%swap3A_583] {strides = array<i32>} : memref<4128xf32, #tpu.memory_space<vmem>>, vector<16xf32>,
    tpu.vector_store %arg8[%swap3A_583], %get3A_582 {strides = array<i32>} : memref<4128xf32, #tpu.memory_space<vmem>>, vector<16xf32>,
    %get3A_585 = arith.constant 5 : i32
    %get3A_586 = arith.index_cast %get3A_585 : i32 to index
    %get3A_587 = arith.constant 32 : index
    %get3A_588 = tpu.vector_load %arg7[%get3A_586, %get3A_587] {strides = array<i32>} : memref<16x256xf32, #tpu.memory_space<vmem>>, vector<16xf32>,
    %swap3A_589 = arith.constant 1322 : index
    %swap3A_590 = tpu.vector_load %arg8[%swap3A_589] {strides = array<i32>} : memref<4128xf32, #tpu.memory_space<vmem>>, vector<16xf32>,
    tpu.vector_store %arg8[%swap3A_589], %get3A_588 {strides = array<i32>} : memref<4128xf32, #tpu.memory_space<vmem>>, vector<16xf32>,
    %get3A_591 = arith.constant 5 : i32
    %get3A_592 = arith.index_cast %get3A_591 : i32 to index
    %get3A_593 = arith.constant 48 : index
    %get3A_594 = tpu.vector_load %arg7[%get3A_592, %get3A_593] {strides = array<i32>} : memref<16x256xf32, #tpu.memory_space<vmem>>, vector<16xf32>,
    %swap3A_595 = arith.constant 1338 : index
    %swap3A_596 = tpu.vector_load %arg8[%swap3A_595] {strides = array<i32>} : memref<4128xf32, #tpu.memory_space<vmem>>, vector<16xf32>,
    tpu.vector_store %arg8[%swap3A_595], %get3A_594 {strides = array<i32>} : memref<4128xf32, #tpu.memory_space<vmem>>, vector<16xf32>,
    %get3A_597 = arith.constant 5 : i32
    %get3A_598 = arith.index_cast %get3A_597 : i32 to index
    %get3A_599 = arith.constant 64 : index
    %get3A_600 = tpu.vector_load %arg7[%get3A_598, %get3A_599] {strides = array<i32>} : memref<16x256xf32, #tpu.memory_space<vmem>>, vector<16xf32>,
    %swap3A_601 = arith.constant 1354 : index
    %swap3A_602 = tpu.vector_load %arg8[%swap3A_601] {strides = array<i32>} : memref<4128xf32, #tpu.memory_space<vmem>>, vector<16xf32>,
    tpu.vector_store %arg8[%swap3A_601], %get3A_600 {strides = array<i32>} : memref<4128xf32, #tpu.memory_space<vmem>>, vector<16xf32>,
    %get3A_603 = arith.constant 5 : i32
    %get3A_604 = arith.index_cast %get3A_603 : i32 to index
    %get3A_605 = arith.constant 80 : index
    %get3A_606 = tpu.vector_load %arg7[%get3A_604, %get3A_605] {strides = array<i32>} : memref<16x256xf32, #tpu.memory_space<vmem>>, vector<16xf32>,
    %swap3A_607 = arith.constant 1370 : index
    %swap3A_608 = tpu.vector_load %arg8[%swap3A_607] {strides = array<i32>} : memref<4128xf32, #tpu.memory_space<vmem>>, vector<16xf32>,
    tpu.vector_store %arg8[%swap3A_607], %get3A_606 {strides = array<i32>} : memref<4128xf32, #tpu.memory_space<vmem>>, vector<16xf32>,
    %get3A_609 = arith.constant 5 : i32
    %get3A_610 = arith.index_cast %get3A_609 : i32 to index
    %get3A_611 = arith.constant 96 : index
    %get3A_612 = tpu.vector_load %arg7[%get3A_610, %get3A_611] {strides = array<i32>} : memref<16x256xf32, #tpu.memory_space<vmem>>, vector<16xf32>,
    %swap3A_613 = arith.constant 1386 : index
    %swap3A_614 = tpu.vector_load %arg8[%swap3A_613] {strides = array<i32>} : memref<4128xf32, #tpu.memory_space<vmem>>, vector<16xf32>,
    tpu.vector_store %arg8[%swap3A_613], %get3A_612 {strides = array<i32>} : memref<4128xf32, #tpu.memory_space<vmem>>, vector<16xf32>,
    %get3A_615 = arith.constant 5 : i32
    %get3A_616 = arith.index_cast %get3A_615 : i32 to index
    %get3A_617 = arith.constant 112 : index
    %get3A_618 = tpu.vector_load %arg7[%get3A_616, %get3A_617] {strides = array<i32>} : memref<16x256xf32, #tpu.memory_space<vmem>>, vector<16xf32>,
    %swap3A_619 = arith.constant 1402 : index
    %swap3A_620 = tpu.vector_load %arg8[%swap3A_619] {strides = array<i32>} : memref<4128xf32, #tpu.memory_space<vmem>>, vector<16xf32>,
    tpu.vector_store %arg8[%swap3A_619], %get3A_618 {strides = array<i32>} : memref<4128xf32, #tpu.memory_space<vmem>>, vector<16xf32>,
    %get3A_621 = arith.constant 5 : i32
    %get3A_622 = arith.index_cast %get3A_621 : i32 to index
    %get3A_623 = arith.constant 128 : index
    %get3A_624 = tpu.vector_load %arg7[%get3A_622, %get3A_623] {strides = array<i32>} : memref<16x256xf32, #tpu.memory_space<vmem>>, vector<16xf32>,
    %swap3A_625 = arith.constant 1418 : index
    %swap3A_626 = tpu.vector_load %arg8[%swap3A_625] {strides = array<i32>} : memref<4128xf32, #tpu.memory_space<vmem>>, vector<16xf32>,
    tpu.vector_store %arg8[%swap3A_625], %get3A_624 {strides = array<i32>} : memref<4128xf32, #tpu.memory_space<vmem>>, vector<16xf32>,
    %get3A_627 = arith.constant 5 : i32
    %get3A_628 = arith.index_cast %get3A_627 : i32 to index
    %get3A_629 = arith.constant 144 : index
    %get3A_630 = tpu.vector_load %arg7[%get3A_628, %get3A_629] {strides = array<i32>} : memref<16x256xf32, #tpu.memory_space<vmem>>, vector<16xf32>,
    %swap3A_631 = arith.constant 1434 : index
    %swap3A_632 = tpu.vector_load %arg8[%swap3A_631] {strides = array<i32>} : memref<4128xf32, #tpu.memory_space<vmem>>, vector<16xf32>,
    tpu.vector_store %arg8[%swap3A_631], %get3A_630 {strides = array<i32>} : memref<4128xf32, #tpu.memory_space<vmem>>, vector<16xf32>,
    %get3A_633 = arith.constant 5 : i32
    %get3A_634 = arith.index_cast %get3A_633 : i32 to index
    %get3A_635 = arith.constant 160 : index
    %get3A_636 = tpu.vector_load %arg7[%get3A_634, %get3A_635] {strides = array<i32>} : memref<16x256xf32, #tpu.memory_space<vmem>>, vector<16xf32>,
    %swap3A_637 = arith.constant 1450 : index
    %swap3A_638 = tpu.vector_load %arg8[%swap3A_637] {strides = array<i32>} : memref<4128xf32, #tpu.memory_space<vmem>>, vector<16xf32>,
    tpu.vector_store %arg8[%swap3A_637], %get3A_636 {strides = array<i32>} : memref<4128xf32, #tpu.memory_space<vmem>>, vector<16xf32>,
    %get3A_639 = arith.constant 5 : i32
    %get3A_640 = arith.index_cast %get3A_639 : i32 to index
    %get3A_641 = arith.constant 176 : index
    %get3A_642 = tpu.vector_load %arg7[%get3A_640, %get3A_641] {strides = array<i32>} : memref<16x256xf32, #tpu.memory_space<vmem>>, vector<16xf32>,
    %swap3A_643 = arith.constant 1466 : index
    %swap3A_644 = tpu.vector_load %arg8[%swap3A_643] {strides = array<i32>} : memref<4128xf32, #tpu.memory_space<vmem>>, vector<16xf32>,
    tpu.vector_store %arg8[%swap3A_643], %get3A_642 {strides = array<i32>} : memref<4128xf32, #tpu.memory_space<vmem>>, vector<16xf32>,
    %get3A_645 = arith.constant 5 : i32
    %get3A_646 = arith.index_cast %get3A_645 : i32 to index
    %get3A_647 = arith.constant 192 : index
    %get3A_648 = tpu.vector_load %arg7[%get3A_646, %get3A_647] {strides = array<i32>} : memref<16x256xf32, #tpu.memory_space<vmem>>, vector<16xf32>,
    %swap3A_649 = arith.constant 1482 : index
    %swap3A_650 = tpu.vector_load %arg8[%swap3A_649] {strides = array<i32>} : memref<4128xf32, #tpu.memory_space<vmem>>, vector<16xf32>,
    tpu.vector_store %arg8[%swap3A_649], %get3A_648 {strides = array<i32>} : memref<4128xf32, #tpu.memory_space<vmem>>, vector<16xf32>,
    %get3A_651 = arith.constant 5 : i32
    %get3A_652 = arith.index_cast %get3A_651 : i32 to index
    %get3A_653 = arith.constant 208 : index
    %get3A_654 = tpu.vector_load %arg7[%get3A_652, %get3A_653] {strides = array<i32>} : memref<16x256xf32, #tpu.memory_space<vmem>>, vector<16xf32>,
    %swap3A_655 = arith.constant 1498 : index
    %swap3A_656 = tpu.vector_load %arg8[%swap3A_655] {strides = array<i32>} : memref<4128xf32, #tpu.memory_space<vmem>>, vector<16xf32>,
    tpu.vector_store %arg8[%swap3A_655], %get3A_654 {strides = array<i32>} : memref<4128xf32, #tpu.memory_space<vmem>>, vector<16xf32>,
    %get3A_657 = arith.constant 5 : i32
    %get3A_658 = arith.index_cast %get3A_657 : i32 to index
    %get3A_659 = arith.constant 224 : index
    %get3A_660 = tpu.vector_load %arg7[%get3A_658, %get3A_659] {strides = array<i32>} : memref<16x256xf32, #tpu.memory_space<vmem>>, vector<16xf32>,
    %swap3A_661 = arith.constant 1514 : index
    %swap3A_662 = tpu.vector_load %arg8[%swap3A_661] {strides = array<i32>} : memref<4128xf32, #tpu.memory_space<vmem>>, vector<16xf32>,
    tpu.vector_store %arg8[%swap3A_661], %get3A_660 {strides = array<i32>} : memref<4128xf32, #tpu.memory_space<vmem>>, vector<16xf32>,
    %get3A_663 = arith.constant 5 : i32
    %get3A_664 = arith.index_cast %get3A_663 : i32 to index
    %get3A_665 = arith.constant 240 : index
    %get3A_666 = tpu.vector_load %arg7[%get3A_664, %get3A_665] {strides = array<i32>} : memref<16x256xf32, #tpu.memory_space<vmem>>, vector<16xf32>,
    %swap3A_667 = arith.constant 1530 : index
    %swap3A_668 = tpu.vector_load %arg8[%swap3A_667] {strides = array<i32>} : memref<4128xf32, #tpu.memory_space<vmem>>, vector<16xf32>,
    tpu.vector_store %arg8[%swap3A_667], %get3A_666 {strides = array<i32>} : memref<4128xf32, #tpu.memory_space<vmem>>, vector<16xf32>,
    %get3A_669 = arith.constant 6 : i32
    %get3A_670 = arith.index_cast %get3A_669 : i32 to index
    %get3A_671 = arith.constant 0 : index
    %get3A_672 = tpu.vector_load %arg7[%get3A_670, %get3A_671] {strides = array<i32>} : memref<16x256xf32, #tpu.memory_space<vmem>>, vector<16xf32>,
    %swap3A_673 = arith.constant 1548 : index
    %swap3A_674 = tpu.vector_load %arg8[%swap3A_673] {strides = array<i32>} : memref<4128xf32, #tpu.memory_space<vmem>>, vector<16xf32>,
    tpu.vector_store %arg8[%swap3A_673], %get3A_672 {strides = array<i32>} : memref<4128xf32, #tpu.memory_space<vmem>>, vector<16xf32>,
    %get3A_675 = arith.constant 6 : i32
    %get3A_676 = arith.index_cast %get3A_675 : i32 to index
    %get3A_677 = arith.constant 16 : index
    %get3A_678 = tpu.vector_load %arg7[%get3A_676, %get3A_677] {strides = array<i32>} : memref<16x256xf32, #tpu.memory_space<vmem>>, vector<16xf32>,
    %swap3A_679 = arith.constant 1564 : index
    %swap3A_680 = tpu.vector_load %arg8[%swap3A_679] {strides = array<i32>} : memref<4128xf32, #tpu.memory_space<vmem>>, vector<16xf32>,
    tpu.vector_store %arg8[%swap3A_679], %get3A_678 {strides = array<i32>} : memref<4128xf32, #tpu.memory_space<vmem>>, vector<16xf32>,
    %get3A_681 = arith.constant 6 : i32
    %get3A_682 = arith.index_cast %get3A_681 : i32 to index
    %get3A_683 = arith.constant 32 : index
    %get3A_684 = tpu.vector_load %arg7[%get3A_682, %get3A_683] {strides = array<i32>} : memref<16x256xf32, #tpu.memory_space<vmem>>, vector<16xf32>,
    %swap3A_685 = arith.constant 1580 : index
    %swap3A_686 = tpu.vector_load %arg8[%swap3A_685] {strides = array<i32>} : memref<4128xf32, #tpu.memory_space<vmem>>, vector<16xf32>,
    tpu.vector_store %arg8[%swap3A_685], %get3A_684 {strides = array<i32>} : memref<4128xf32, #tpu.memory_space<vmem>>, vector<16xf32>,
    %get3A_687 = arith.constant 6 : i32
    %get3A_688 = arith.index_cast %get3A_687 : i32 to index
    %get3A_689 = arith.constant 48 : index
    %get3A_690 = tpu.vector_load %arg7[%get3A_688, %get3A_689] {strides = array<i32>} : memref<16x256xf32, #tpu.memory_space<vmem>>, vector<16xf32>,
    %swap3A_691 = arith.constant 1596 : index
    %swap3A_692 = tpu.vector_load %arg8[%swap3A_691] {strides = array<i32>} : memref<4128xf32, #tpu.memory_space<vmem>>, vector<16xf32>,
    tpu.vector_store %arg8[%swap3A_691], %get3A_690 {strides = array<i32>} : memref<4128xf32, #tpu.memory_space<vmem>>, vector<16xf32>,
    %get3A_693 = arith.constant 6 : i32
    %get3A_694 = arith.index_cast %get3A_693 : i32 to index
    %get3A_695 = arith.constant 64 : index
    %get3A_696 = tpu.vector_load %arg7[%get3A_694, %get3A_695] {strides = array<i32>} : memref<16x256xf32, #tpu.memory_space<vmem>>, vector<16xf32>,
    %swap3A_697 = arith.constant 1612 : index
    %swap3A_698 = tpu.vector_load %arg8[%swap3A_697] {strides = array<i32>} : memref<4128xf32, #tpu.memory_space<vmem>>, vector<16xf32>,
    tpu.vector_store %arg8[%swap3A_697], %get3A_696 {strides = array<i32>} : memref<4128xf32, #tpu.memory_space<vmem>>, vector<16xf32>,
    %get3A_699 = arith.constant 6 : i32
    %get3A_700 = arith.index_cast %get3A_699 : i32 to index
    %get3A_701 = arith.constant 80 : index
    %get3A_702 = tpu.vector_load %arg7[%get3A_700, %get3A_701] {strides = array<i32>} : memref<16x256xf32, #tpu.memory_space<vmem>>, vector<16xf32>,
    %swap3A_703 = arith.constant 1628 : index
    %swap3A_704 = tpu.vector_load %arg8[%swap3A_703] {strides = array<i32>} : memref<4128xf32, #tpu.memory_space<vmem>>, vector<16xf32>,
    tpu.vector_store %arg8[%swap3A_703], %get3A_702 {strides = array<i32>} : memref<4128xf32, #tpu.memory_space<vmem>>, vector<16xf32>,
    %get3A_705 = arith.constant 6 : i32
    %get3A_706 = arith.index_cast %get3A_705 : i32 to index
    %get3A_707 = arith.constant 96 : index
    %get3A_708 = tpu.vector_load %arg7[%get3A_706, %get3A_707] {strides = array<i32>} : memref<16x256xf32, #tpu.memory_space<vmem>>, vector<16xf32>,
    %swap3A_709 = arith.constant 1644 : index
    %swap3A_710 = tpu.vector_load %arg8[%swap3A_709] {strides = array<i32>} : memref<4128xf32, #tpu.memory_space<vmem>>, vector<16xf32>,
    tpu.vector_store %arg8[%swap3A_709], %get3A_708 {strides = array<i32>} : memref<4128xf32, #tpu.memory_space<vmem>>, vector<16xf32>,
    %get3A_711 = arith.constant 6 : i32
    %get3A_712 = arith.index_cast %get3A_711 : i32 to index
    %get3A_713 = arith.constant 112 : index
    %get3A_714 = tpu.vector_load %arg7[%get3A_712, %get3A_713] {strides = array<i32>} : memref<16x256xf32, #tpu.memory_space<vmem>>, vector<16xf32>,
    %swap3A_715 = arith.constant 1660 : index
    %swap3A_716 = tpu.vector_load %arg8[%swap3A_715] {strides = array<i32>} : memref<4128xf32, #tpu.memory_space<vmem>>, vector<16xf32>,
    tpu.vector_store %arg8[%swap3A_715], %get3A_714 {strides = array<i32>} : memref<4128xf32, #tpu.memory_space<vmem>>, vector<16xf32>,
    %get3A_717 = arith.constant 6 : i32
    %get3A_718 = arith.index_cast %get3A_717 : i32 to index
    %get3A_719 = arith.constant 128 : index
    %get3A_720 = tpu.vector_load %arg7[%get3A_718, %get3A_719] {strides = array<i32>} : memref<16x256xf32, #tpu.memory_space<vmem>>, vector<16xf32>,
    %swap3A_721 = arith.constant 1676 : index
    %swap3A_722 = tpu.vector_load %arg8[%swap3A_721] {strides = array<i32>} : memref<4128xf32, #tpu.memory_space<vmem>>, vector<16xf32>,
    tpu.vector_store %arg8[%swap3A_721], %get3A_720 {strides = array<i32>} : memref<4128xf32, #tpu.memory_space<vmem>>, vector<16xf32>,
    %get3A_723 = arith.constant 6 : i32
    %get3A_724 = arith.index_cast %get3A_723 : i32 to index
    %get3A_725 = arith.constant 144 : index
    %get3A_726 = tpu.vector_load %arg7[%get3A_724, %get3A_725] {strides = array<i32>} : memref<16x256xf32, #tpu.memory_space<vmem>>, vector<16xf32>,
    %swap3A_727 = arith.constant 1692 : index
    %swap3A_728 = tpu.vector_load %arg8[%swap3A_727] {strides = array<i32>} : memref<4128xf32, #tpu.memory_space<vmem>>, vector<16xf32>,
    tpu.vector_store %arg8[%swap3A_727], %get3A_726 {strides = array<i32>} : memref<4128xf32, #tpu.memory_space<vmem>>, vector<16xf32>,
    %get3A_729 = arith.constant 6 : i32
    %get3A_730 = arith.index_cast %get3A_729 : i32 to index
    %get3A_731 = arith.constant 160 : index
    %get3A_732 = tpu.vector_load %arg7[%get3A_730, %get3A_731] {strides = array<i32>} : memref<16x256xf32, #tpu.memory_space<vmem>>, vector<16xf32>,
    %swap3A_733 = arith.constant 1708 : index
    %swap3A_734 = tpu.vector_load %arg8[%swap3A_733] {strides = array<i32>} : memref<4128xf32, #tpu.memory_space<vmem>>, vector<16xf32>,
    tpu.vector_store %arg8[%swap3A_733], %get3A_732 {strides = array<i32>} : memref<4128xf32, #tpu.memory_space<vmem>>, vector<16xf32>,
    %get3A_735 = arith.constant 6 : i32
    %get3A_736 = arith.index_cast %get3A_735 : i32 to index
    %get3A_737 = arith.constant 176 : index
    %get3A_738 = tpu.vector_load %arg7[%get3A_736, %get3A_737] {strides = array<i32>} : memref<16x256xf32, #tpu.memory_space<vmem>>, vector<16xf32>,
    %swap3A_739 = arith.constant 1724 : index
    %swap3A_740 = tpu.vector_load %arg8[%swap3A_739] {strides = array<i32>} : memref<4128xf32, #tpu.memory_space<vmem>>, vector<16xf32>,
    tpu.vector_store %arg8[%swap3A_739], %get3A_738 {strides = array<i32>} : memref<4128xf32, #tpu.memory_space<vmem>>, vector<16xf32>,
    %get3A_741 = arith.constant 6 : i32
    %get3A_742 = arith.index_cast %get3A_741 : i32 to index
    %get3A_743 = arith.constant 192 : index
    %get3A_744 = tpu.vector_load %arg7[%get3A_742, %get3A_743] {strides = array<i32>} : memref<16x256xf32, #tpu.memory_space<vmem>>, vector<16xf32>,
    %swap3A_745 = arith.constant 1740 : index
    %swap3A_746 = tpu.vector_load %arg8[%swap3A_745] {strides = array<i32>} : memref<4128xf32, #tpu.memory_space<vmem>>, vector<16xf32>,
    tpu.vector_store %arg8[%swap3A_745], %get3A_744 {strides = array<i32>} : memref<4128xf32, #tpu.memory_space<vmem>>, vector<16xf32>,
    %get3A_747 = arith.constant 6 : i32
    %get3A_748 = arith.index_cast %get3A_747 : i32 to index
    %get3A_749 = arith.constant 208 : index
    %get3A_750 = tpu.vector_load %arg7[%get3A_748, %get3A_749] {strides = array<i32>} : memref<16x256xf32, #tpu.memory_space<vmem>>, vector<16xf32>,
    %swap3A_751 = arith.constant 1756 : index
    %swap3A_752 = tpu.vector_load %arg8[%swap3A_751] {strides = array<i32>} : memref<4128xf32, #tpu.memory_space<vmem>>, vector<16xf32>,
    tpu.vector_store %arg8[%swap3A_751], %get3A_750 {strides = array<i32>} : memref<4128xf32, #tpu.memory_space<vmem>>, vector<16xf32>,
    %get3A_753 = arith.constant 6 : i32
    %get3A_754 = arith.index_cast %get3A_753 : i32 to index
    %get3A_755 = arith.constant 224 : index
    %get3A_756 = tpu.vector_load %arg7[%get3A_754, %get3A_755] {strides = array<i32>} : memref<16x256xf32, #tpu.memory_space<vmem>>, vector<16xf32>,
    %swap3A_757 = arith.constant 1772 : index
    %swap3A_758 = tpu.vector_load %arg8[%swap3A_757] {strides = array<i32>} : memref<4128xf32, #tpu.memory_space<vmem>>, vector<16xf32>,
    tpu.vector_store %arg8[%swap3A_757], %get3A_756 {strides = array<i32>} : memref<4128xf32, #tpu.memory_space<vmem>>, vector<16xf32>,
    %get3A_759 = arith.constant 6 : i32
    %get3A_760 = arith.index_cast %get3A_759 : i32 to index
    %get3A_761 = arith.constant 240 : index
    %get3A_762 = tpu.vector_load %arg7[%get3A_760, %get3A_761] {strides = array<i32>} : memref<16x256xf32, #tpu.memory_space<vmem>>, vector<16xf32>,
    %swap3A_763 = arith.constant 1788 : index
    %swap3A_764 = tpu.vector_load %arg8[%swap3A_763] {strides = array<i32>} : memref<4128xf32, #tpu.memory_space<vmem>>, vector<16xf32>,
    tpu.vector_store %arg8[%swap3A_763], %get3A_762 {strides = array<i32>} : memref<4128xf32, #tpu.memory_space<vmem>>, vector<16xf32>,
    %get3A_765 = arith.constant 7 : i32
    %get3A_766 = arith.index_cast %get3A_765 : i32 to index
    %get3A_767 = arith.constant 0 : index
    %get3A_768 = tpu.vector_load %arg7[%get3A_766, %get3A_767] {strides = array<i32>} : memref<16x256xf32, #tpu.memory_space<vmem>>, vector<16xf32>,
    %swap3A_769 = arith.constant 1806 : index
    %swap3A_770 = tpu.vector_load %arg8[%swap3A_769] {strides = array<i32>} : memref<4128xf32, #tpu.memory_space<vmem>>, vector<16xf32>,
    tpu.vector_store %arg8[%swap3A_769], %get3A_768 {strides = array<i32>} : memref<4128xf32, #tpu.memory_space<vmem>>, vector<16xf32>,
    %get3A_771 = arith.constant 7 : i32
    %get3A_772 = arith.index_cast %get3A_771 : i32 to index
    %get3A_773 = arith.constant 16 : index
    %get3A_774 = tpu.vector_load %arg7[%get3A_772, %get3A_773] {strides = array<i32>} : memref<16x256xf32, #tpu.memory_space<vmem>>, vector<16xf32>,
    %swap3A_775 = arith.constant 1822 : index
    %swap3A_776 = tpu.vector_load %arg8[%swap3A_775] {strides = array<i32>} : memref<4128xf32, #tpu.memory_space<vmem>>, vector<16xf32>,
    tpu.vector_store %arg8[%swap3A_775], %get3A_774 {strides = array<i32>} : memref<4128xf32, #tpu.memory_space<vmem>>, vector<16xf32>,
    %get3A_777 = arith.constant 7 : i32
    %get3A_778 = arith.index_cast %get3A_777 : i32 to index
    %get3A_779 = arith.constant 32 : index
    %get3A_780 = tpu.vector_load %arg7[%get3A_778, %get3A_779] {strides = array<i32>} : memref<16x256xf32, #tpu.memory_space<vmem>>, vector<16xf32>,
    %swap3A_781 = arith.constant 1838 : index
    %swap3A_782 = tpu.vector_load %arg8[%swap3A_781] {strides = array<i32>} : memref<4128xf32, #tpu.memory_space<vmem>>, vector<16xf32>,
    tpu.vector_store %arg8[%swap3A_781], %get3A_780 {strides = array<i32>} : memref<4128xf32, #tpu.memory_space<vmem>>, vector<16xf32>,
    %get3A_783 = arith.constant 7 : i32
    %get3A_784 = arith.index_cast %get3A_783 : i32 to index
    %get3A_785 = arith.constant 48 : index
    %get3A_786 = tpu.vector_load %arg7[%get3A_784, %get3A_785] {strides = array<i32>} : memref<16x256xf32, #tpu.memory_space<vmem>>, vector<16xf32>,
    %swap3A_787 = arith.constant 1854 : index
    %swap3A_788 = tpu.vector_load %arg8[%swap3A_787] {strides = array<i32>} : memref<4128xf32, #tpu.memory_space<vmem>>, vector<16xf32>,
    tpu.vector_store %arg8[%swap3A_787], %get3A_786 {strides = array<i32>} : memref<4128xf32, #tpu.memory_space<vmem>>, vector<16xf32>,
    %get3A_789 = arith.constant 7 : i32
    %get3A_790 = arith.index_cast %get3A_789 : i32 to index
    %get3A_791 = arith.constant 64 : index
    %get3A_792 = tpu.vector_load %arg7[%get3A_790, %get3A_791] {strides = array<i32>} : memref<16x256xf32, #tpu.memory_space<vmem>>, vector<16xf32>,
    %swap3A_793 = arith.constant 1870 : index
    %swap3A_794 = tpu.vector_load %arg8[%swap3A_793] {strides = array<i32>} : memref<4128xf32, #tpu.memory_space<vmem>>, vector<16xf32>,
    tpu.vector_store %arg8[%swap3A_793], %get3A_792 {strides = array<i32>} : memref<4128xf32, #tpu.memory_space<vmem>>, vector<16xf32>,
    %get3A_795 = arith.constant 7 : i32
    %get3A_796 = arith.index_cast %get3A_795 : i32 to index
    %get3A_797 = arith.constant 80 : index
    %get3A_798 = tpu.vector_load %arg7[%get3A_796, %get3A_797] {strides = array<i32>} : memref<16x256xf32, #tpu.memory_space<vmem>>, vector<16xf32>,
    %swap3A_799 = arith.constant 1886 : index
    %swap3A_800 = tpu.vector_load %arg8[%swap3A_799] {strides = array<i32>} : memref<4128xf32, #tpu.memory_space<vmem>>, vector<16xf32>,
    tpu.vector_store %arg8[%swap3A_799], %get3A_798 {strides = array<i32>} : memref<4128xf32, #tpu.memory_space<vmem>>, vector<16xf32>,
    %get3A_801 = arith.constant 7 : i32
    %get3A_802 = arith.index_cast %get3A_801 : i32 to index
    %get3A_803 = arith.constant 96 : index
    %get3A_804 = tpu.vector_load %arg7[%get3A_802, %get3A_803] {strides = array<i32>} : memref<16x256xf32, #tpu.memory_space<vmem>>, vector<16xf32>,
    %swap3A_805 = arith.constant 1902 : index
    %swap3A_806 = tpu.vector_load %arg8[%swap3A_805] {strides = array<i32>} : memref<4128xf32, #tpu.memory_space<vmem>>, vector<16xf32>,
    tpu.vector_store %arg8[%swap3A_805], %get3A_804 {strides = array<i32>} : memref<4128xf32, #tpu.memory_space<vmem>>, vector<16xf32>,
    %get3A_807 = arith.constant 7 : i32
    %get3A_808 = arith.index_cast %get3A_807 : i32 to index
    %get3A_809 = arith.constant 112 : index
    %get3A_810 = tpu.vector_load %arg7[%get3A_808, %get3A_809] {strides = array<i32>} : memref<16x256xf32, #tpu.memory_space<vmem>>, vector<16xf32>,
    %swap3A_811 = arith.constant 1918 : index
    %swap3A_812 = tpu.vector_load %arg8[%swap3A_811] {strides = array<i32>} : memref<4128xf32, #tpu.memory_space<vmem>>, vector<16xf32>,
    tpu.vector_store %arg8[%swap3A_811], %get3A_810 {strides = array<i32>} : memref<4128xf32, #tpu.memory_space<vmem>>, vector<16xf32>,
    %get3A_813 = arith.constant 7 : i32
    %get3A_814 = arith.index_cast %get3A_813 : i32 to index
    %get3A_815 = arith.constant 128 : index
    %get3A_816 = tpu.vector_load %arg7[%get3A_814, %get3A_815] {strides = array<i32>} : memref<16x256xf32, #tpu.memory_space<vmem>>, vector<16xf32>,
    %swap3A_817 = arith.constant 1934 : index
    %swap3A_818 = tpu.vector_load %arg8[%swap3A_817] {strides = array<i32>} : memref<4128xf32, #tpu.memory_space<vmem>>, vector<16xf32>,
    tpu.vector_store %arg8[%swap3A_817], %get3A_816 {strides = array<i32>} : memref<4128xf32, #tpu.memory_space<vmem>>, vector<16xf32>,
    %get3A_819 = arith.constant 7 : i32
    %get3A_820 = arith.index_cast %get3A_819 : i32 to index
    %get3A_821 = arith.constant 144 : index
    %get3A_822 = tpu.vector_load %arg7[%get3A_820, %get3A_821] {strides = array<i32>} : memref<16x256xf32, #tpu.memory_space<vmem>>, vector<16xf32>,
    %swap3A_823 = arith.constant 1950 : index
    %swap3A_824 = tpu.vector_load %arg8[%swap3A_823] {strides = array<i32>} : memref<4128xf32, #tpu.memory_space<vmem>>, vector<16xf32>,
    tpu.vector_store %arg8[%swap3A_823], %get3A_822 {strides = array<i32>} : memref<4128xf32, #tpu.memory_space<vmem>>, vector<16xf32>,
    %get3A_825 = arith.constant 7 : i32
    %get3A_826 = arith.index_cast %get3A_825 : i32 to index
    %get3A_827 = arith.constant 160 : index
    %get3A_828 = tpu.vector_load %arg7[%get3A_826, %get3A_827] {strides = array<i32>} : memref<16x256xf32, #tpu.memory_space<vmem>>, vector<16xf32>,
    %swap3A_829 = arith.constant 1966 : index
    %swap3A_830 = tpu.vector_load %arg8[%swap3A_829] {strides = array<i32>} : memref<4128xf32, #tpu.memory_space<vmem>>, vector<16xf32>,
    tpu.vector_store %arg8[%swap3A_829], %get3A_828 {strides = array<i32>} : memref<4128xf32, #tpu.memory_space<vmem>>, vector<16xf32>,
    %get3A_831 = arith.constant 7 : i32
    %get3A_832 = arith.index_cast %get3A_831 : i32 to index
    %get3A_833 = arith.constant 176 : index
    %get3A_834 = tpu.vector_load %arg7[%get3A_832, %get3A_833] {strides = array<i32>} : memref<16x256xf32, #tpu.memory_space<vmem>>, vector<16xf32>,
    %swap3A_835 = arith.constant 1982 : index
    %swap3A_836 = tpu.vector_load %arg8[%swap3A_835] {strides = array<i32>} : memref<4128xf32, #tpu.memory_space<vmem>>, vector<16xf32>,
    tpu.vector_store %arg8[%swap3A_835], %get3A_834 {strides = array<i32>} : memref<4128xf32, #tpu.memory_space<vmem>>, vector<16xf32>,
    %get3A_837 = arith.constant 7 : i32
    %get3A_838 = arith.index_cast %get3A_837 : i32 to index
    %get3A_839 = arith.constant 192 : index
    %get3A_840 = tpu.vector_load %arg7[%get3A_838, %get3A_839] {strides = array<i32>} : memref<16x256xf32, #tpu.memory_space<vmem>>, vector<16xf32>,
    %swap3A_841 = arith.constant 1998 : index
    %swap3A_842 = tpu.vector_load %arg8[%swap3A_841] {strides = array<i32>} : memref<4128xf32, #tpu.memory_space<vmem>>, vector<16xf32>,
    tpu.vector_store %arg8[%swap3A_841], %get3A_840 {strides = array<i32>} : memref<4128xf32, #tpu.memory_space<vmem>>, vector<16xf32>,
    %get3A_843 = arith.constant 7 : i32
    %get3A_844 = arith.index_cast %get3A_843 : i32 to index
    %get3A_845 = arith.constant 208 : index
    %get3A_846 = tpu.vector_load %arg7[%get3A_844, %get3A_845] {strides = array<i32>} : memref<16x256xf32, #tpu.memory_space<vmem>>, vector<16xf32>,
    %swap3A_847 = arith.constant 2014 : index
    %swap3A_848 = tpu.vector_load %arg8[%swap3A_847] {strides = array<i32>} : memref<4128xf32, #tpu.memory_space<vmem>>, vector<16xf32>,
    tpu.vector_store %arg8[%swap3A_847], %get3A_846 {strides = array<i32>} : memref<4128xf32, #tpu.memory_space<vmem>>, vector<16xf32>,
    %get3A_849 = arith.constant 7 : i32
    %get3A_850 = arith.index_cast %get3A_849 : i32 to index
    %get3A_851 = arith.constant 224 : index
    %get3A_852 = tpu.vector_load %arg7[%get3A_850, %get3A_851] {strides = array<i32>} : memref<16x256xf32, #tpu.memory_space<vmem>>, vector<16xf32>,
    %swap3A_853 = arith.constant 2030 : index
    %swap3A_854 = tpu.vector_load %arg8[%swap3A_853] {strides = array<i32>} : memref<4128xf32, #tpu.memory_space<vmem>>, vector<16xf32>,
    tpu.vector_store %arg8[%swap3A_853], %get3A_852 {strides = array<i32>} : memref<4128xf32, #tpu.memory_space<vmem>>, vector<16xf32>,
    %get3A_855 = arith.constant 7 : i32
    %get3A_856 = arith.index_cast %get3A_855 : i32 to index
    %get3A_857 = arith.constant 240 : index
    %get3A_858 = tpu.vector_load %arg7[%get3A_856, %get3A_857] {strides = array<i32>} : memref<16x256xf32, #tpu.memory_space<vmem>>, vector<16xf32>,
    %swap3A_859 = arith.constant 2046 : index
    %swap3A_860 = tpu.vector_load %arg8[%swap3A_859] {strides = array<i32>} : memref<4128xf32, #tpu.memory_space<vmem>>, vector<16xf32>,
    tpu.vector_store %arg8[%swap3A_859], %get3A_858 {strides = array<i32>} : memref<4128xf32, #tpu.memory_space<vmem>>, vector<16xf32>,
    %dma_start3A_861 = arith.constant 0 : i32
    %dma_start3A_862 = tpu.memref_slice %arg8[%dma_start3A_861] : memref<4128xf32, #tpu.memory_space<vmem>> -> memref<2064xf32, #tpu.memory_space<vmem>>
    %dma_start3A_863 = arith.constant 0 : i32
    %dma_start3A_864 = tpu.memref_slice %arg4[%dma_start3A_863] : memref<4128xf32, #tpu.memory_space<hbm>> -> memref<2064xf32, #tpu.memory_space<hbm>>
    %dma_start3A_865 = arith.constant 0 : i32
    %dma_start3A_866 = tpu.memref_slice %arg4[%dma_start3A_865] : memref<4128xf32, #tpu.memory_space<hbm>> -> memref<2064xf32, #tpu.memory_space<hbm>>
    %dma_start3A_867 = arith.constant 0 : i32
    %dma_start3A_868 = tpu.memref_slice %arg8[%dma_start3A_867] : memref<4128xf32, #tpu.memory_space<vmem>> -> memref<2064xf32, #tpu.memory_space<vmem>>
    tpu.enqueue_dma source(%dma_start3A_868 : memref<2064xf32, #tpu.memory_space<vmem>>) target(%dma_start3A_866 : memref<2064xf32, #tpu.memory_space<hbm>>) target_semaphore(%arg9 : memref<!tpu.dma_semaphore, #tpu.memory_space<semaphore_mem>>)
    %dma_wait3A_869 = arith.constant 8 : i32
    %dma_wait3A_870 = arith.constant 0 : i32
    %dma_wait3A_871 = tpu.memref_slice %arg7[%dma_wait3A_869, %dma_wait3A_870] : memref<16x256xf32, #tpu.memory_space<vmem>> -> memref<8x256xf32, #tpu.memory_space<vmem>>
    %dma_wait3A_872 = arith.constant 8 : i32
    %dma_wait3A_873 = tpu.memref_slice %arg6[%dma_wait3A_872] : memref<16xi32, #tpu.memory_space<vmem>> -> memref<8xi32, #tpu.memory_space<vmem>>
    %dma_wait3A_874 = arith.constant 0 : i32
    %dma_wait3A_875 = arith.constant 0 : i32
    %dma_wait3A_876 = tpu.memref_slice %arg2[%dma_wait3A_874, %dma_wait3A_875] : memref<65536x256xf32, #tpu.memory_space<hbm>> -> memref<65536x256xf32, #tpu.memory_space<hbm>>
    tpu.wait_indirect_dma semaphore(%arg10 : memref<!tpu.dma_semaphore, #tpu.memory_space<semaphore_mem>>) src(%dma_wait3A_876 : memref<65536x256xf32, #tpu.memory_space<hbm>>) dst(%dma_wait3A_871 : memref<8x256xf32, #tpu.memory_space<vmem>>)
    %get3A_877 = arith.constant 8 : i32
    %get3A_878 = arith.index_cast %get3A_877 : i32 to index
    %get3A_879 = arith.constant 0 : index
    %get3A_880 = tpu.vector_load %arg7[%get3A_878, %get3A_879] {strides = array<i32>} : memref<16x256xf32, #tpu.memory_space<vmem>>, vector<16xf32>,
    %swap3A_881 = arith.constant 2064 : index
    %swap3A_882 = tpu.vector_load %arg8[%swap3A_881] {strides = array<i32>} : memref<4128xf32, #tpu.memory_space<vmem>>, vector<16xf32>,
    tpu.vector_store %arg8[%swap3A_881], %get3A_880 {strides = array<i32>} : memref<4128xf32, #tpu.memory_space<vmem>>, vector<16xf32>,
    %get3A_883 = arith.constant 8 : i32
    %get3A_884 = arith.index_cast %get3A_883 : i32 to index
    %get3A_885 = arith.constant 16 : index
    %get3A_886 = tpu.vector_load %arg7[%get3A_884, %get3A_885] {strides = array<i32>} : memref<16x256xf32, #tpu.memory_space<vmem>>, vector<16xf32>,
    %swap3A_887 = arith.constant 2080 : index
    %swap3A_888 = tpu.vector_load %arg8[%swap3A_887] {strides = array<i32>} : memref<4128xf32, #tpu.memory_space<vmem>>, vector<16xf32>,
    tpu.vector_store %arg8[%swap3A_887], %get3A_886 {strides = array<i32>} : memref<4128xf32, #tpu.memory_space<vmem>>, vector<16xf32>,
    %get3A_889 = arith.constant 8 : i32
    %get3A_890 = arith.index_cast %get3A_889 : i32 to index
    %get3A_891 = arith.constant 32 : index
    %get3A_892 = tpu.vector_load %arg7[%get3A_890, %get3A_891] {strides = array<i32>} : memref<16x256xf32, #tpu.memory_space<vmem>>, vector<16xf32>,
    %swap3A_893 = arith.constant 2096 : index
    %swap3A_894 = tpu.vector_load %arg8[%swap3A_893] {strides = array<i32>} : memref<4128xf32, #tpu.memory_space<vmem>>, vector<16xf32>,
    tpu.vector_store %arg8[%swap3A_893], %get3A_892 {strides = array<i32>} : memref<4128xf32, #tpu.memory_space<vmem>>, vector<16xf32>,
    %get3A_895 = arith.constant 8 : i32
    %get3A_896 = arith.index_cast %get3A_895 : i32 to index
    %get3A_897 = arith.constant 48 : index
    %get3A_898 = tpu.vector_load %arg7[%get3A_896, %get3A_897] {strides = array<i32>} : memref<16x256xf32, #tpu.memory_space<vmem>>, vector<16xf32>,
    %swap3A_899 = arith.constant 2112 : index
    %swap3A_900 = tpu.vector_load %arg8[%swap3A_899] {strides = array<i32>} : memref<4128xf32, #tpu.memory_space<vmem>>, vector<16xf32>,
    tpu.vector_store %arg8[%swap3A_899], %get3A_898 {strides = array<i32>} : memref<4128xf32, #tpu.memory_space<vmem>>, vector<16xf32>,
    %get3A_901 = arith.constant 8 : i32
    %get3A_902 = arith.index_cast %get3A_901 : i32 to index
    %get3A_903 = arith.constant 64 : index
    %get3A_904 = tpu.vector_load %arg7[%get3A_902, %get3A_903] {strides = array<i32>} : memref<16x256xf32, #tpu.memory_space<vmem>>, vector<16xf32>,
    %swap3A_905 = arith.constant 2128 : index
    %swap3A_906 = tpu.vector_load %arg8[%swap3A_905] {strides = array<i32>} : memref<4128xf32, #tpu.memory_space<vmem>>, vector<16xf32>,
    tpu.vector_store %arg8[%swap3A_905], %get3A_904 {strides = array<i32>} : memref<4128xf32, #tpu.memory_space<vmem>>, vector<16xf32>,
    %get3A_907 = arith.constant 8 : i32
    %get3A_908 = arith.index_cast %get3A_907 : i32 to index
    %get3A_909 = arith.constant 80 : index
    %get3A_910 = tpu.vector_load %arg7[%get3A_908, %get3A_909] {strides = array<i32>} : memref<16x256xf32, #tpu.memory_space<vmem>>, vector<16xf32>,
    %swap3A_911 = arith.constant 2144 : index
    %swap3A_912 = tpu.vector_load %arg8[%swap3A_911] {strides = array<i32>} : memref<4128xf32, #tpu.memory_space<vmem>>, vector<16xf32>,
    tpu.vector_store %arg8[%swap3A_911], %get3A_910 {strides = array<i32>} : memref<4128xf32, #tpu.memory_space<vmem>>, vector<16xf32>,
    %get3A_913 = arith.constant 8 : i32
    %get3A_914 = arith.index_cast %get3A_913 : i32 to index
    %get3A_915 = arith.constant 96 : index
    %get3A_916 = tpu.vector_load %arg7[%get3A_914, %get3A_915] {strides = array<i32>} : memref<16x256xf32, #tpu.memory_space<vmem>>, vector<16xf32>,
    %swap3A_917 = arith.constant 2160 : index
    %swap3A_918 = tpu.vector_load %arg8[%swap3A_917] {strides = array<i32>} : memref<4128xf32, #tpu.memory_space<vmem>>, vector<16xf32>,
    tpu.vector_store %arg8[%swap3A_917], %get3A_916 {strides = array<i32>} : memref<4128xf32, #tpu.memory_space<vmem>>, vector<16xf32>,
    %get3A_919 = arith.constant 8 : i32
    %get3A_920 = arith.index_cast %get3A_919 : i32 to index
    %get3A_921 = arith.constant 112 : index
    %get3A_922 = tpu.vector_load %arg7[%get3A_920, %get3A_921] {strides = array<i32>} : memref<16x256xf32, #tpu.memory_space<vmem>>, vector<16xf32>,
    %swap3A_923 = arith.constant 2176 : index
    %swap3A_924 = tpu.vector_load %arg8[%swap3A_923] {strides = array<i32>} : memref<4128xf32, #tpu.memory_space<vmem>>, vector<16xf32>,
    tpu.vector_store %arg8[%swap3A_923], %get3A_922 {strides = array<i32>} : memref<4128xf32, #tpu.memory_space<vmem>>, vector<16xf32>,
    %get3A_925 = arith.constant 8 : i32
    %get3A_926 = arith.index_cast %get3A_925 : i32 to index
    %get3A_927 = arith.constant 128 : index
    %get3A_928 = tpu.vector_load %arg7[%get3A_926, %get3A_927] {strides = array<i32>} : memref<16x256xf32, #tpu.memory_space<vmem>>, vector<16xf32>,
    %swap3A_929 = arith.constant 2192 : index
    %swap3A_930 = tpu.vector_load %arg8[%swap3A_929] {strides = array<i32>} : memref<4128xf32, #tpu.memory_space<vmem>>, vector<16xf32>,
    tpu.vector_store %arg8[%swap3A_929], %get3A_928 {strides = array<i32>} : memref<4128xf32, #tpu.memory_space<vmem>>, vector<16xf32>,
    %get3A_931 = arith.constant 8 : i32
    %get3A_932 = arith.index_cast %get3A_931 : i32 to index
    %get3A_933 = arith.constant 144 : index
    %get3A_934 = tpu.vector_load %arg7[%get3A_932, %get3A_933] {strides = array<i32>} : memref<16x256xf32, #tpu.memory_space<vmem>>, vector<16xf32>,
    %swap3A_935 = arith.constant 2208 : index
    %swap3A_936 = tpu.vector_load %arg8[%swap3A_935] {strides = array<i32>} : memref<4128xf32, #tpu.memory_space<vmem>>, vector<16xf32>,
    tpu.vector_store %arg8[%swap3A_935], %get3A_934 {strides = array<i32>} : memref<4128xf32, #tpu.memory_space<vmem>>, vector<16xf32>,
    %get3A_937 = arith.constant 8 : i32
    %get3A_938 = arith.index_cast %get3A_937 : i32 to index
    %get3A_939 = arith.constant 160 : index
    %get3A_940 = tpu.vector_load %arg7[%get3A_938, %get3A_939] {strides = array<i32>} : memref<16x256xf32, #tpu.memory_space<vmem>>, vector<16xf32>,
    %swap3A_941 = arith.constant 2224 : index
    %swap3A_942 = tpu.vector_load %arg8[%swap3A_941] {strides = array<i32>} : memref<4128xf32, #tpu.memory_space<vmem>>, vector<16xf32>,
    tpu.vector_store %arg8[%swap3A_941], %get3A_940 {strides = array<i32>} : memref<4128xf32, #tpu.memory_space<vmem>>, vector<16xf32>,
    %get3A_943 = arith.constant 8 : i32
    %get3A_944 = arith.index_cast %get3A_943 : i32 to index
    %get3A_945 = arith.constant 176 : index
    %get3A_946 = tpu.vector_load %arg7[%get3A_944, %get3A_945] {strides = array<i32>} : memref<16x256xf32, #tpu.memory_space<vmem>>, vector<16xf32>,
    %swap3A_947 = arith.constant 2240 : index
    %swap3A_948 = tpu.vector_load %arg8[%swap3A_947] {strides = array<i32>} : memref<4128xf32, #tpu.memory_space<vmem>>, vector<16xf32>,
    tpu.vector_store %arg8[%swap3A_947], %get3A_946 {strides = array<i32>} : memref<4128xf32, #tpu.memory_space<vmem>>, vector<16xf32>,
    %get3A_949 = arith.constant 8 : i32
    %get3A_950 = arith.index_cast %get3A_949 : i32 to index
    %get3A_951 = arith.constant 192 : index
    %get3A_952 = tpu.vector_load %arg7[%get3A_950, %get3A_951] {strides = array<i32>} : memref<16x256xf32, #tpu.memory_space<vmem>>, vector<16xf32>,
    %swap3A_953 = arith.constant 2256 : index
    %swap3A_954 = tpu.vector_load %arg8[%swap3A_953] {strides = array<i32>} : memref<4128xf32, #tpu.memory_space<vmem>>, vector<16xf32>,
    tpu.vector_store %arg8[%swap3A_953], %get3A_952 {strides = array<i32>} : memref<4128xf32, #tpu.memory_space<vmem>>, vector<16xf32>,
    %get3A_955 = arith.constant 8 : i32
    %get3A_956 = arith.index_cast %get3A_955 : i32 to index
    %get3A_957 = arith.constant 208 : index
    %get3A_958 = tpu.vector_load %arg7[%get3A_956, %get3A_957] {strides = array<i32>} : memref<16x256xf32, #tpu.memory_space<vmem>>, vector<16xf32>,
    %swap3A_959 = arith.constant 2272 : index
    %swap3A_960 = tpu.vector_load %arg8[%swap3A_959] {strides = array<i32>} : memref<4128xf32, #tpu.memory_space<vmem>>, vector<16xf32>,
    tpu.vector_store %arg8[%swap3A_959], %get3A_958 {strides = array<i32>} : memref<4128xf32, #tpu.memory_space<vmem>>, vector<16xf32>,
    %get3A_961 = arith.constant 8 : i32
    %get3A_962 = arith.index_cast %get3A_961 : i32 to index
    %get3A_963 = arith.constant 224 : index
    %get3A_964 = tpu.vector_load %arg7[%get3A_962, %get3A_963] {strides = array<i32>} : memref<16x256xf32, #tpu.memory_space<vmem>>, vector<16xf32>,
    %swap3A_965 = arith.constant 2288 : index
    %swap3A_966 = tpu.vector_load %arg8[%swap3A_965] {strides = array<i32>} : memref<4128xf32, #tpu.memory_space<vmem>>, vector<16xf32>,
    tpu.vector_store %arg8[%swap3A_965], %get3A_964 {strides = array<i32>} : memref<4128xf32, #tpu.memory_space<vmem>>, vector<16xf32>,
    %get3A_967 = arith.constant 8 : i32
    %get3A_968 = arith.index_cast %get3A_967 : i32 to index
    %get3A_969 = arith.constant 240 : index
    %get3A_970 = tpu.vector_load %arg7[%get3A_968, %get3A_969] {strides = array<i32>} : memref<16x256xf32, #tpu.memory_space<vmem>>, vector<16xf32>,
    %swap3A_971 = arith.constant 2304 : index
    %swap3A_972 = tpu.vector_load %arg8[%swap3A_971] {strides = array<i32>} : memref<4128xf32, #tpu.memory_space<vmem>>, vector<16xf32>,
    tpu.vector_store %arg8[%swap3A_971], %get3A_970 {strides = array<i32>} : memref<4128xf32, #tpu.memory_space<vmem>>, vector<16xf32>,
    %get3A_973 = arith.constant 9 : i32
    %get3A_974 = arith.index_cast %get3A_973 : i32 to index
    %get3A_975 = arith.constant 0 : index
    %get3A_976 = tpu.vector_load %arg7[%get3A_974, %get3A_975] {strides = array<i32>} : memref<16x256xf32, #tpu.memory_space<vmem>>, vector<16xf32>,
    %swap3A_977 = arith.constant 2322 : index
    %swap3A_978 = tpu.vector_load %arg8[%swap3A_977] {strides = array<i32>} : memref<4128xf32, #tpu.memory_space<vmem>>, vector<16xf32>,
    tpu.vector_store %arg8[%swap3A_977], %get3A_976 {strides = array<i32>} : memref<4128xf32, #tpu.memory_space<vmem>>, vector<16xf32>,
    %get3A_979 = arith.constant 9 : i32
    %get3A_980 = arith.index_cast %get3A_979 : i32 to index
    %get3A_981 = arith.constant 16 : index
    %get3A_982 = tpu.vector_load %arg7[%get3A_980, %get3A_981] {strides = array<i32>} : memref<16x256xf32, #tpu.memory_space<vmem>>, vector<16xf32>,
    %swap3A_983 = arith.constant 2338 : index
    %swap3A_984 = tpu.vector_load %arg8[%swap3A_983] {strides = array<i32>} : memref<4128xf32, #tpu.memory_space<vmem>>, vector<16xf32>,
    tpu.vector_store %arg8[%swap3A_983], %get3A_982 {strides = array<i32>} : memref<4128xf32, #tpu.memory_space<vmem>>, vector<16xf32>,
    %get3A_985 = arith.constant 9 : i32
    %get3A_986 = arith.index_cast %get3A_985 : i32 to index
    %get3A_987 = arith.constant 32 : index
    %get3A_988 = tpu.vector_load %arg7[%get3A_986, %get3A_987] {strides = array<i32>} : memref<16x256xf32, #tpu.memory_space<vmem>>, vector<16xf32>,
    %swap3A_989 = arith.constant 2354 : index
    %swap3A_990 = tpu.vector_load %arg8[%swap3A_989] {strides = array<i32>} : memref<4128xf32, #tpu.memory_space<vmem>>, vector<16xf32>,
    tpu.vector_store %arg8[%swap3A_989], %get3A_988 {strides = array<i32>} : memref<4128xf32, #tpu.memory_space<vmem>>, vector<16xf32>,
    %get3A_991 = arith.constant 9 : i32
    %get3A_992 = arith.index_cast %get3A_991 : i32 to index
    %get3A_993 = arith.constant 48 : index
    %get3A_994 = tpu.vector_load %arg7[%get3A_992, %get3A_993] {strides = array<i32>} : memref<16x256xf32, #tpu.memory_space<vmem>>, vector<16xf32>,
    %swap3A_995 = arith.constant 2370 : index
    %swap3A_996 = tpu.vector_load %arg8[%swap3A_995] {strides = array<i32>} : memref<4128xf32, #tpu.memory_space<vmem>>, vector<16xf32>,
    tpu.vector_store %arg8[%swap3A_995], %get3A_994 {strides = array<i32>} : memref<4128xf32, #tpu.memory_space<vmem>>, vector<16xf32>,
    %get3A_997 = arith.constant 9 : i32
    %get3A_998 = arith.index_cast %get3A_997 : i32 to index
    %get3A_999 = arith.constant 64 : index
    %get3A_1000 = tpu.vector_load %arg7[%get3A_998, %get3A_999] {strides = array<i32>} : memref<16x256xf32, #tpu.memory_space<vmem>>, vector<16xf32>,
    %swap3A_1001 = arith.constant 2386 : index
    %swap3A_1002 = tpu.vector_load %arg8[%swap3A_1001] {strides = array<i32>} : memref<4128xf32, #tpu.memory_space<vmem>>, vector<16xf32>,
    tpu.vector_store %arg8[%swap3A_1001], %get3A_1000 {strides = array<i32>} : memref<4128xf32, #tpu.memory_space<vmem>>, vector<16xf32>,
    %get3A_1003 = arith.constant 9 : i32
    %get3A_1004 = arith.index_cast %get3A_1003 : i32 to index
    %get3A_1005 = arith.constant 80 : index
    %get3A_1006 = tpu.vector_load %arg7[%get3A_1004, %get3A_1005] {strides = array<i32>} : memref<16x256xf32, #tpu.memory_space<vmem>>, vector<16xf32>,
    %swap3A_1007 = arith.constant 2402 : index
    %swap3A_1008 = tpu.vector_load %arg8[%swap3A_1007] {strides = array<i32>} : memref<4128xf32, #tpu.memory_space<vmem>>, vector<16xf32>,
    tpu.vector_store %arg8[%swap3A_1007], %get3A_1006 {strides = array<i32>} : memref<4128xf32, #tpu.memory_space<vmem>>, vector<16xf32>,
    %get3A_1009 = arith.constant 9 : i32
    %get3A_1010 = arith.index_cast %get3A_1009 : i32 to index
    %get3A_1011 = arith.constant 96 : index
    %get3A_1012 = tpu.vector_load %arg7[%get3A_1010, %get3A_1011] {strides = array<i32>} : memref<16x256xf32, #tpu.memory_space<vmem>>, vector<16xf32>,
    %swap3A_1013 = arith.constant 2418 : index
    %swap3A_1014 = tpu.vector_load %arg8[%swap3A_1013] {strides = array<i32>} : memref<4128xf32, #tpu.memory_space<vmem>>, vector<16xf32>,
    tpu.vector_store %arg8[%swap3A_1013], %get3A_1012 {strides = array<i32>} : memref<4128xf32, #tpu.memory_space<vmem>>, vector<16xf32>,
    %get3A_1015 = arith.constant 9 : i32
    %get3A_1016 = arith.index_cast %get3A_1015 : i32 to index
    %get3A_1017 = arith.constant 112 : index
    %get3A_1018 = tpu.vector_load %arg7[%get3A_1016, %get3A_1017] {strides = array<i32>} : memref<16x256xf32, #tpu.memory_space<vmem>>, vector<16xf32>,
    %swap3A_1019 = arith.constant 2434 : index
    %swap3A_1020 = tpu.vector_load %arg8[%swap3A_1019] {strides = array<i32>} : memref<4128xf32, #tpu.memory_space<vmem>>, vector<16xf32>,
    tpu.vector_store %arg8[%swap3A_1019], %get3A_1018 {strides = array<i32>} : memref<4128xf32, #tpu.memory_space<vmem>>, vector<16xf32>,
    %get3A_1021 = arith.constant 9 : i32
    %get3A_1022 = arith.index_cast %get3A_1021 : i32 to index
    %get3A_1023 = arith.constant 128 : index
    %get3A_1024 = tpu.vector_load %arg7[%get3A_1022, %get3A_1023] {strides = array<i32>} : memref<16x256xf32, #tpu.memory_space<vmem>>, vector<16xf32>,
    %swap3A_1025 = arith.constant 2450 : index
    %swap3A_1026 = tpu.vector_load %arg8[%swap3A_1025] {strides = array<i32>} : memref<4128xf32, #tpu.memory_space<vmem>>, vector<16xf32>,
    tpu.vector_store %arg8[%swap3A_1025], %get3A_1024 {strides = array<i32>} : memref<4128xf32, #tpu.memory_space<vmem>>, vector<16xf32>,
    %get3A_1027 = arith.constant 9 : i32
    %get3A_1028 = arith.index_cast %get3A_1027 : i32 to index
    %get3A_1029 = arith.constant 144 : index
    %get3A_1030 = tpu.vector_load %arg7[%get3A_1028, %get3A_1029] {strides = array<i32>} : memref<16x256xf32, #tpu.memory_space<vmem>>, vector<16xf32>,
    %swap3A_1031 = arith.constant 2466 : index
    %swap3A_1032 = tpu.vector_load %arg8[%swap3A_1031] {strides = array<i32>} : memref<4128xf32, #tpu.memory_space<vmem>>, vector<16xf32>,
    tpu.vector_store %arg8[%swap3A_1031], %get3A_1030 {strides = array<i32>} : memref<4128xf32, #tpu.memory_space<vmem>>, vector<16xf32>,
    %get3A_1033 = arith.constant 9 : i32
    %get3A_1034 = arith.index_cast %get3A_1033 : i32 to index
    %get3A_1035 = arith.constant 160 : index
    %get3A_1036 = tpu.vector_load %arg7[%get3A_1034, %get3A_1035] {strides = array<i32>} : memref<16x256xf32, #tpu.memory_space<vmem>>, vector<16xf32>,
    %swap3A_1037 = arith.constant 2482 : index
    %swap3A_1038 = tpu.vector_load %arg8[%swap3A_1037] {strides = array<i32>} : memref<4128xf32, #tpu.memory_space<vmem>>, vector<16xf32>,
    tpu.vector_store %arg8[%swap3A_1037], %get3A_1036 {strides = array<i32>} : memref<4128xf32, #tpu.memory_space<vmem>>, vector<16xf32>,
    %get3A_1039 = arith.constant 9 : i32
    %get3A_1040 = arith.index_cast %get3A_1039 : i32 to index
    %get3A_1041 = arith.constant 176 : index
    %get3A_1042 = tpu.vector_load %arg7[%get3A_1040, %get3A_1041] {strides = array<i32>} : memref<16x256xf32, #tpu.memory_space<vmem>>, vector<16xf32>,
    %swap3A_1043 = arith.constant 2498 : index
    %swap3A_1044 = tpu.vector_load %arg8[%swap3A_1043] {strides = array<i32>} : memref<4128xf32, #tpu.memory_space<vmem>>, vector<16xf32>,
    tpu.vector_store %arg8[%swap3A_1043], %get3A_1042 {strides = array<i32>} : memref<4128xf32, #tpu.memory_space<vmem>>, vector<16xf32>,
    %get3A_1045 = arith.constant 9 : i32
    %get3A_1046 = arith.index_cast %get3A_1045 : i32 to index
    %get3A_1047 = arith.constant 192 : index
    %get3A_1048 = tpu.vector_load %arg7[%get3A_1046, %get3A_1047] {strides = array<i32>} : memref<16x256xf32, #tpu.memory_space<vmem>>, vector<16xf32>,
    %swap3A_1049 = arith.constant 2514 : index
    %swap3A_1050 = tpu.vector_load %arg8[%swap3A_1049] {strides = array<i32>} : memref<4128xf32, #tpu.memory_space<vmem>>, vector<16xf32>,
    tpu.vector_store %arg8[%swap3A_1049], %get3A_1048 {strides = array<i32>} : memref<4128xf32, #tpu.memory_space<vmem>>, vector<16xf32>,
    %get3A_1051 = arith.constant 9 : i32
    %get3A_1052 = arith.index_cast %get3A_1051 : i32 to index
    %get3A_1053 = arith.constant 208 : index
    %get3A_1054 = tpu.vector_load %arg7[%get3A_1052, %get3A_1053] {strides = array<i32>} : memref<16x256xf32, #tpu.memory_space<vmem>>, vector<16xf32>,
    %swap3A_1055 = arith.constant 2530 : index
    %swap3A_1056 = tpu.vector_load %arg8[%swap3A_1055] {strides = array<i32>} : memref<4128xf32, #tpu.memory_space<vmem>>, vector<16xf32>,
    tpu.vector_store %arg8[%swap3A_1055], %get3A_1054 {strides = array<i32>} : memref<4128xf32, #tpu.memory_space<vmem>>, vector<16xf32>,
    %get3A_1057 = arith.constant 9 : i32
    %get3A_1058 = arith.index_cast %get3A_1057 : i32 to index
    %get3A_1059 = arith.constant 224 : index
    %get3A_1060 = tpu.vector_load %arg7[%get3A_1058, %get3A_1059] {strides = array<i32>} : memref<16x256xf32, #tpu.memory_space<vmem>>, vector<16xf32>,
    %swap3A_1061 = arith.constant 2546 : index
    %swap3A_1062 = tpu.vector_load %arg8[%swap3A_1061] {strides = array<i32>} : memref<4128xf32, #tpu.memory_space<vmem>>, vector<16xf32>,
    tpu.vector_store %arg8[%swap3A_1061], %get3A_1060 {strides = array<i32>} : memref<4128xf32, #tpu.memory_space<vmem>>, vector<16xf32>,
    %get3A_1063 = arith.constant 9 : i32
    %get3A_1064 = arith.index_cast %get3A_1063 : i32 to index
    %get3A_1065 = arith.constant 240 : index
    %get3A_1066 = tpu.vector_load %arg7[%get3A_1064, %get3A_1065] {strides = array<i32>} : memref<16x256xf32, #tpu.memory_space<vmem>>, vector<16xf32>,
    %swap3A_1067 = arith.constant 2562 : index
    %swap3A_1068 = tpu.vector_load %arg8[%swap3A_1067] {strides = array<i32>} : memref<4128xf32, #tpu.memory_space<vmem>>, vector<16xf32>,
    tpu.vector_store %arg8[%swap3A_1067], %get3A_1066 {strides = array<i32>} : memref<4128xf32, #tpu.memory_space<vmem>>, vector<16xf32>,
    %get3A_1069 = arith.constant 10 : i32
    %get3A_1070 = arith.index_cast %get3A_1069 : i32 to index
    %get3A_1071 = arith.constant 0 : index
    %get3A_1072 = tpu.vector_load %arg7[%get3A_1070, %get3A_1071] {strides = array<i32>} : memref<16x256xf32, #tpu.memory_space<vmem>>, vector<16xf32>,
    %swap3A_1073 = arith.constant 2580 : index
    %swap3A_1074 = tpu.vector_load %arg8[%swap3A_1073] {strides = array<i32>} : memref<4128xf32, #tpu.memory_space<vmem>>, vector<16xf32>,
    tpu.vector_store %arg8[%swap3A_1073], %get3A_1072 {strides = array<i32>} : memref<4128xf32, #tpu.memory_space<vmem>>, vector<16xf32>,
    %get3A_1075 = arith.constant 10 : i32
    %get3A_1076 = arith.index_cast %get3A_1075 : i32 to index
    %get3A_1077 = arith.constant 16 : index
    %get3A_1078 = tpu.vector_load %arg7[%get3A_1076, %get3A_1077] {strides = array<i32>} : memref<16x256xf32, #tpu.memory_space<vmem>>, vector<16xf32>,
    %swap3A_1079 = arith.constant 2596 : index
    %swap3A_1080 = tpu.vector_load %arg8[%swap3A_1079] {strides = array<i32>} : memref<4128xf32, #tpu.memory_space<vmem>>, vector<16xf32>,
    tpu.vector_store %arg8[%swap3A_1079], %get3A_1078 {strides = array<i32>} : memref<4128xf32, #tpu.memory_space<vmem>>, vector<16xf32>,
    %get3A_1081 = arith.constant 10 : i32
    %get3A_1082 = arith.index_cast %get3A_1081 : i32 to index
    %get3A_1083 = arith.constant 32 : index
    %get3A_1084 = tpu.vector_load %arg7[%get3A_1082, %get3A_1083] {strides = array<i32>} : memref<16x256xf32, #tpu.memory_space<vmem>>, vector<16xf32>,
    %swap3A_1085 = arith.constant 2612 : index
    %swap3A_1086 = tpu.vector_load %arg8[%swap3A_1085] {strides = array<i32>} : memref<4128xf32, #tpu.memory_space<vmem>>, vector<16xf32>,
    tpu.vector_store %arg8[%swap3A_1085], %get3A_1084 {strides = array<i32>} : memref<4128xf32, #tpu.memory_space<vmem>>, vector<16xf32>,
    %get3A_1087 = arith.constant 10 : i32
    %get3A_1088 = arith.index_cast %get3A_1087 : i32 to index
    %get3A_1089 = arith.constant 48 : index
    %get3A_1090 = tpu.vector_load %arg7[%get3A_1088, %get3A_1089] {strides = array<i32>} : memref<16x256xf32, #tpu.memory_space<vmem>>, vector<16xf32>,
    %swap3A_1091 = arith.constant 2628 : index
    %swap3A_1092 = tpu.vector_load %arg8[%swap3A_1091] {strides = array<i32>} : memref<4128xf32, #tpu.memory_space<vmem>>, vector<16xf32>,
    tpu.vector_store %arg8[%swap3A_1091], %get3A_1090 {strides = array<i32>} : memref<4128xf32, #tpu.memory_space<vmem>>, vector<16xf32>,
    %get3A_1093 = arith.constant 10 : i32
    %get3A_1094 = arith.index_cast %get3A_1093 : i32 to index
    %get3A_1095 = arith.constant 64 : index
    %get3A_1096 = tpu.vector_load %arg7[%get3A_1094, %get3A_1095] {strides = array<i32>} : memref<16x256xf32, #tpu.memory_space<vmem>>, vector<16xf32>,
    %swap3A_1097 = arith.constant 2644 : index
    %swap3A_1098 = tpu.vector_load %arg8[%swap3A_1097] {strides = array<i32>} : memref<4128xf32, #tpu.memory_space<vmem>>, vector<16xf32>,
    tpu.vector_store %arg8[%swap3A_1097], %get3A_1096 {strides = array<i32>} : memref<4128xf32, #tpu.memory_space<vmem>>, vector<16xf32>,
    %get3A_1099 = arith.constant 10 : i32
    %get3A_1100 = arith.index_cast %get3A_1099 : i32 to index
    %get3A_1101 = arith.constant 80 : index
    %get3A_1102 = tpu.vector_load %arg7[%get3A_1100, %get3A_1101] {strides = array<i32>} : memref<16x256xf32, #tpu.memory_space<vmem>>, vector<16xf32>,
    %swap3A_1103 = arith.constant 2660 : index
    %swap3A_1104 = tpu.vector_load %arg8[%swap3A_1103] {strides = array<i32>} : memref<4128xf32, #tpu.memory_space<vmem>>, vector<16xf32>,
    tpu.vector_store %arg8[%swap3A_1103], %get3A_1102 {strides = array<i32>} : memref<4128xf32, #tpu.memory_space<vmem>>, vector<16xf32>,
    %get3A_1105 = arith.constant 10 : i32
    %get3A_1106 = arith.index_cast %get3A_1105 : i32 to index
    %get3A_1107 = arith.constant 96 : index
    %get3A_1108 = tpu.vector_load %arg7[%get3A_1106, %get3A_1107] {strides = array<i32>} : memref<16x256xf32, #tpu.memory_space<vmem>>, vector<16xf32>,
    %swap3A_1109 = arith.constant 2676 : index
    %swap3A_1110 = tpu.vector_load %arg8[%swap3A_1109] {strides = array<i32>} : memref<4128xf32, #tpu.memory_space<vmem>>, vector<16xf32>,
    tpu.vector_store %arg8[%swap3A_1109], %get3A_1108 {strides = array<i32>} : memref<4128xf32, #tpu.memory_space<vmem>>, vector<16xf32>,
    %get3A_1111 = arith.constant 10 : i32
    %get3A_1112 = arith.index_cast %get3A_1111 : i32 to index
    %get3A_1113 = arith.constant 112 : index
    %get3A_1114 = tpu.vector_load %arg7[%get3A_1112, %get3A_1113] {strides = array<i32>} : memref<16x256xf32, #tpu.memory_space<vmem>>, vector<16xf32>,
    %swap3A_1115 = arith.constant 2692 : index
    %swap3A_1116 = tpu.vector_load %arg8[%swap3A_1115] {strides = array<i32>} : memref<4128xf32, #tpu.memory_space<vmem>>, vector<16xf32>,
    tpu.vector_store %arg8[%swap3A_1115], %get3A_1114 {strides = array<i32>} : memref<4128xf32, #tpu.memory_space<vmem>>, vector<16xf32>,
    %get3A_1117 = arith.constant 10 : i32
    %get3A_1118 = arith.index_cast %get3A_1117 : i32 to index
    %get3A_1119 = arith.constant 128 : index
    %get3A_1120 = tpu.vector_load %arg7[%get3A_1118, %get3A_1119] {strides = array<i32>} : memref<16x256xf32, #tpu.memory_space<vmem>>, vector<16xf32>,
    %swap3A_1121 = arith.constant 2708 : index
    %swap3A_1122 = tpu.vector_load %arg8[%swap3A_1121] {strides = array<i32>} : memref<4128xf32, #tpu.memory_space<vmem>>, vector<16xf32>,
    tpu.vector_store %arg8[%swap3A_1121], %get3A_1120 {strides = array<i32>} : memref<4128xf32, #tpu.memory_space<vmem>>, vector<16xf32>,
    %get3A_1123 = arith.constant 10 : i32
    %get3A_1124 = arith.index_cast %get3A_1123 : i32 to index
    %get3A_1125 = arith.constant 144 : index
    %get3A_1126 = tpu.vector_load %arg7[%get3A_1124, %get3A_1125] {strides = array<i32>} : memref<16x256xf32, #tpu.memory_space<vmem>>, vector<16xf32>,
    %swap3A_1127 = arith.constant 2724 : index
    %swap3A_1128 = tpu.vector_load %arg8[%swap3A_1127] {strides = array<i32>} : memref<4128xf32, #tpu.memory_space<vmem>>, vector<16xf32>,
    tpu.vector_store %arg8[%swap3A_1127], %get3A_1126 {strides = array<i32>} : memref<4128xf32, #tpu.memory_space<vmem>>, vector<16xf32>,
    %get3A_1129 = arith.constant 10 : i32
    %get3A_1130 = arith.index_cast %get3A_1129 : i32 to index
    %get3A_1131 = arith.constant 160 : index
    %get3A_1132 = tpu.vector_load %arg7[%get3A_1130, %get3A_1131] {strides = array<i32>} : memref<16x256xf32, #tpu.memory_space<vmem>>, vector<16xf32>,
    %swap3A_1133 = arith.constant 2740 : index
    %swap3A_1134 = tpu.vector_load %arg8[%swap3A_1133] {strides = array<i32>} : memref<4128xf32, #tpu.memory_space<vmem>>, vector<16xf32>,
    tpu.vector_store %arg8[%swap3A_1133], %get3A_1132 {strides = array<i32>} : memref<4128xf32, #tpu.memory_space<vmem>>, vector<16xf32>,
    %get3A_1135 = arith.constant 10 : i32
    %get3A_1136 = arith.index_cast %get3A_1135 : i32 to index
    %get3A_1137 = arith.constant 176 : index
    %get3A_1138 = tpu.vector_load %arg7[%get3A_1136, %get3A_1137] {strides = array<i32>} : memref<16x256xf32, #tpu.memory_space<vmem>>, vector<16xf32>,
    %swap3A_1139 = arith.constant 2756 : index
    %swap3A_1140 = tpu.vector_load %arg8[%swap3A_1139] {strides = array<i32>} : memref<4128xf32, #tpu.memory_space<vmem>>, vector<16xf32>,
    tpu.vector_store %arg8[%swap3A_1139], %get3A_1138 {strides = array<i32>} : memref<4128xf32, #tpu.memory_space<vmem>>, vector<16xf32>,
    %get3A_1141 = arith.constant 10 : i32
    %get3A_1142 = arith.index_cast %get3A_1141 : i32 to index
    %get3A_1143 = arith.constant 192 : index
    %get3A_1144 = tpu.vector_load %arg7[%get3A_1142, %get3A_1143] {strides = array<i32>} : memref<16x256xf32, #tpu.memory_space<vmem>>, vector<16xf32>,
    %swap3A_1145 = arith.constant 2772 : index
    %swap3A_1146 = tpu.vector_load %arg8[%swap3A_1145] {strides = array<i32>} : memref<4128xf32, #tpu.memory_space<vmem>>, vector<16xf32>,
    tpu.vector_store %arg8[%swap3A_1145], %get3A_1144 {strides = array<i32>} : memref<4128xf32, #tpu.memory_space<vmem>>, vector<16xf32>,
    %get3A_1147 = arith.constant 10 : i32
    %get3A_1148 = arith.index_cast %get3A_1147 : i32 to index
    %get3A_1149 = arith.constant 208 : index
    %get3A_1150 = tpu.vector_load %arg7[%get3A_1148, %get3A_1149] {strides = array<i32>} : memref<16x256xf32, #tpu.memory_space<vmem>>, vector<16xf32>,
    %swap3A_1151 = arith.constant 2788 : index
    %swap3A_1152 = tpu.vector_load %arg8[%swap3A_1151] {strides = array<i32>} : memref<4128xf32, #tpu.memory_space<vmem>>, vector<16xf32>,
    tpu.vector_store %arg8[%swap3A_1151], %get3A_1150 {strides = array<i32>} : memref<4128xf32, #tpu.memory_space<vmem>>, vector<16xf32>,
    %get3A_1153 = arith.constant 10 : i32
    %get3A_1154 = arith.index_cast %get3A_1153 : i32 to index
    %get3A_1155 = arith.constant 224 : index
    %get3A_1156 = tpu.vector_load %arg7[%get3A_1154, %get3A_1155] {strides = array<i32>} : memref<16x256xf32, #tpu.memory_space<vmem>>, vector<16xf32>,
    %swap3A_1157 = arith.constant 2804 : index
    %swap3A_1158 = tpu.vector_load %arg8[%swap3A_1157] {strides = array<i32>} : memref<4128xf32, #tpu.memory_space<vmem>>, vector<16xf32>,
    tpu.vector_store %arg8[%swap3A_1157], %get3A_1156 {strides = array<i32>} : memref<4128xf32, #tpu.memory_space<vmem>>, vector<16xf32>,
    %get3A_1159 = arith.constant 10 : i32
    %get3A_1160 = arith.index_cast %get3A_1159 : i32 to index
    %get3A_1161 = arith.constant 240 : index
    %get3A_1162 = tpu.vector_load %arg7[%get3A_1160, %get3A_1161] {strides = array<i32>} : memref<16x256xf32, #tpu.memory_space<vmem>>, vector<16xf32>,
    %swap3A_1163 = arith.constant 2820 : index
    %swap3A_1164 = tpu.vector_load %arg8[%swap3A_1163] {strides = array<i32>} : memref<4128xf32, #tpu.memory_space<vmem>>, vector<16xf32>,
    tpu.vector_store %arg8[%swap3A_1163], %get3A_1162 {strides = array<i32>} : memref<4128xf32, #tpu.memory_space<vmem>>, vector<16xf32>,
    %get3A_1165 = arith.constant 11 : i32
    %get3A_1166 = arith.index_cast %get3A_1165 : i32 to index
    %get3A_1167 = arith.constant 0 : index
    %get3A_1168 = tpu.vector_load %arg7[%get3A_1166, %get3A_1167] {strides = array<i32>} : memref<16x256xf32, #tpu.memory_space<vmem>>, vector<16xf32>,
    %swap3A_1169 = arith.constant 2838 : index
    %swap3A_1170 = tpu.vector_load %arg8[%swap3A_1169] {strides = array<i32>} : memref<4128xf32, #tpu.memory_space<vmem>>, vector<16xf32>,
    tpu.vector_store %arg8[%swap3A_1169], %get3A_1168 {strides = array<i32>} : memref<4128xf32, #tpu.memory_space<vmem>>, vector<16xf32>,
    %get3A_1171 = arith.constant 11 : i32
    %get3A_1172 = arith.index_cast %get3A_1171 : i32 to index
    %get3A_1173 = arith.constant 16 : index
    %get3A_1174 = tpu.vector_load %arg7[%get3A_1172, %get3A_1173] {strides = array<i32>} : memref<16x256xf32, #tpu.memory_space<vmem>>, vector<16xf32>,
    %swap3A_1175 = arith.constant 2854 : index
    %swap3A_1176 = tpu.vector_load %arg8[%swap3A_1175] {strides = array<i32>} : memref<4128xf32, #tpu.memory_space<vmem>>, vector<16xf32>,
    tpu.vector_store %arg8[%swap3A_1175], %get3A_1174 {strides = array<i32>} : memref<4128xf32, #tpu.memory_space<vmem>>, vector<16xf32>,
    %get3A_1177 = arith.constant 11 : i32
    %get3A_1178 = arith.index_cast %get3A_1177 : i32 to index
    %get3A_1179 = arith.constant 32 : index
    %get3A_1180 = tpu.vector_load %arg7[%get3A_1178, %get3A_1179] {strides = array<i32>} : memref<16x256xf32, #tpu.memory_space<vmem>>, vector<16xf32>,
    %swap3A_1181 = arith.constant 2870 : index
    %swap3A_1182 = tpu.vector_load %arg8[%swap3A_1181] {strides = array<i32>} : memref<4128xf32, #tpu.memory_space<vmem>>, vector<16xf32>,
    tpu.vector_store %arg8[%swap3A_1181], %get3A_1180 {strides = array<i32>} : memref<4128xf32, #tpu.memory_space<vmem>>, vector<16xf32>,
    %get3A_1183 = arith.constant 11 : i32
    %get3A_1184 = arith.index_cast %get3A_1183 : i32 to index
    %get3A_1185 = arith.constant 48 : index
    %get3A_1186 = tpu.vector_load %arg7[%get3A_1184, %get3A_1185] {strides = array<i32>} : memref<16x256xf32, #tpu.memory_space<vmem>>, vector<16xf32>,
    %swap3A_1187 = arith.constant 2886 : index
    %swap3A_1188 = tpu.vector_load %arg8[%swap3A_1187] {strides = array<i32>} : memref<4128xf32, #tpu.memory_space<vmem>>, vector<16xf32>,
    tpu.vector_store %arg8[%swap3A_1187], %get3A_1186 {strides = array<i32>} : memref<4128xf32, #tpu.memory_space<vmem>>, vector<16xf32>,
    %get3A_1189 = arith.constant 11 : i32
    %get3A_1190 = arith.index_cast %get3A_1189 : i32 to index
    %get3A_1191 = arith.constant 64 : index
    %get3A_1192 = tpu.vector_load %arg7[%get3A_1190, %get3A_1191] {strides = array<i32>} : memref<16x256xf32, #tpu.memory_space<vmem>>, vector<16xf32>,
    %swap3A_1193 = arith.constant 2902 : index
    %swap3A_1194 = tpu.vector_load %arg8[%swap3A_1193] {strides = array<i32>} : memref<4128xf32, #tpu.memory_space<vmem>>, vector<16xf32>,
    tpu.vector_store %arg8[%swap3A_1193], %get3A_1192 {strides = array<i32>} : memref<4128xf32, #tpu.memory_space<vmem>>, vector<16xf32>,
    %get3A_1195 = arith.constant 11 : i32
    %get3A_1196 = arith.index_cast %get3A_1195 : i32 to index
    %get3A_1197 = arith.constant 80 : index
    %get3A_1198 = tpu.vector_load %arg7[%get3A_1196, %get3A_1197] {strides = array<i32>} : memref<16x256xf32, #tpu.memory_space<vmem>>, vector<16xf32>,
    %swap3A_1199 = arith.constant 2918 : index
    %swap3A_1200 = tpu.vector_load %arg8[%swap3A_1199] {strides = array<i32>} : memref<4128xf32, #tpu.memory_space<vmem>>, vector<16xf32>,
    tpu.vector_store %arg8[%swap3A_1199], %get3A_1198 {strides = array<i32>} : memref<4128xf32, #tpu.memory_space<vmem>>, vector<16xf32>,
    %get3A_1201 = arith.constant 11 : i32
    %get3A_1202 = arith.index_cast %get3A_1201 : i32 to index
    %get3A_1203 = arith.constant 96 : index
    %get3A_1204 = tpu.vector_load %arg7[%get3A_1202, %get3A_1203] {strides = array<i32>} : memref<16x256xf32, #tpu.memory_space<vmem>>, vector<16xf32>,
    %swap3A_1205 = arith.constant 2934 : index
    %swap3A_1206 = tpu.vector_load %arg8[%swap3A_1205] {strides = array<i32>} : memref<4128xf32, #tpu.memory_space<vmem>>, vector<16xf32>,
    tpu.vector_store %arg8[%swap3A_1205], %get3A_1204 {strides = array<i32>} : memref<4128xf32, #tpu.memory_space<vmem>>, vector<16xf32>,
    %get3A_1207 = arith.constant 11 : i32
    %get3A_1208 = arith.index_cast %get3A_1207 : i32 to index
    %get3A_1209 = arith.constant 112 : index
    %get3A_1210 = tpu.vector_load %arg7[%get3A_1208, %get3A_1209] {strides = array<i32>} : memref<16x256xf32, #tpu.memory_space<vmem>>, vector<16xf32>,
    %swap3A_1211 = arith.constant 2950 : index
    %swap3A_1212 = tpu.vector_load %arg8[%swap3A_1211] {strides = array<i32>} : memref<4128xf32, #tpu.memory_space<vmem>>, vector<16xf32>,
    tpu.vector_store %arg8[%swap3A_1211], %get3A_1210 {strides = array<i32>} : memref<4128xf32, #tpu.memory_space<vmem>>, vector<16xf32>,
    %get3A_1213 = arith.constant 11 : i32
    %get3A_1214 = arith.index_cast %get3A_1213 : i32 to index
    %get3A_1215 = arith.constant 128 : index
    %get3A_1216 = tpu.vector_load %arg7[%get3A_1214, %get3A_1215] {strides = array<i32>} : memref<16x256xf32, #tpu.memory_space<vmem>>, vector<16xf32>,
    %swap3A_1217 = arith.constant 2966 : index
    %swap3A_1218 = tpu.vector_load %arg8[%swap3A_1217] {strides = array<i32>} : memref<4128xf32, #tpu.memory_space<vmem>>, vector<16xf32>,
    tpu.vector_store %arg8[%swap3A_1217], %get3A_1216 {strides = array<i32>} : memref<4128xf32, #tpu.memory_space<vmem>>, vector<16xf32>,
    %get3A_1219 = arith.constant 11 : i32
    %get3A_1220 = arith.index_cast %get3A_1219 : i32 to index
    %get3A_1221 = arith.constant 144 : index
    %get3A_1222 = tpu.vector_load %arg7[%get3A_1220, %get3A_1221] {strides = array<i32>} : memref<16x256xf32, #tpu.memory_space<vmem>>, vector<16xf32>,
    %swap3A_1223 = arith.constant 2982 : index
    %swap3A_1224 = tpu.vector_load %arg8[%swap3A_1223] {strides = array<i32>} : memref<4128xf32, #tpu.memory_space<vmem>>, vector<16xf32>,
    tpu.vector_store %arg8[%swap3A_1223], %get3A_1222 {strides = array<i32>} : memref<4128xf32, #tpu.memory_space<vmem>>, vector<16xf32>,
    %get3A_1225 = arith.constant 11 : i32
    %get3A_1226 = arith.index_cast %get3A_1225 : i32 to index
    %get3A_1227 = arith.constant 160 : index
    %get3A_1228 = tpu.vector_load %arg7[%get3A_1226, %get3A_1227] {strides = array<i32>} : memref<16x256xf32, #tpu.memory_space<vmem>>, vector<16xf32>,
    %swap3A_1229 = arith.constant 2998 : index
    %swap3A_1230 = tpu.vector_load %arg8[%swap3A_1229] {strides = array<i32>} : memref<4128xf32, #tpu.memory_space<vmem>>, vector<16xf32>,
    tpu.vector_store %arg8[%swap3A_1229], %get3A_1228 {strides = array<i32>} : memref<4128xf32, #tpu.memory_space<vmem>>, vector<16xf32>,
    %get3A_1231 = arith.constant 11 : i32
    %get3A_1232 = arith.index_cast %get3A_1231 : i32 to index
    %get3A_1233 = arith.constant 176 : index
    %get3A_1234 = tpu.vector_load %arg7[%get3A_1232, %get3A_1233] {strides = array<i32>} : memref<16x256xf32, #tpu.memory_space<vmem>>, vector<16xf32>,
    %swap3A_1235 = arith.constant 3014 : index
    %swap3A_1236 = tpu.vector_load %arg8[%swap3A_1235] {strides = array<i32>} : memref<4128xf32, #tpu.memory_space<vmem>>, vector<16xf32>,
    tpu.vector_store %arg8[%swap3A_1235], %get3A_1234 {strides = array<i32>} : memref<4128xf32, #tpu.memory_space<vmem>>, vector<16xf32>,
    %get3A_1237 = arith.constant 11 : i32
    %get3A_1238 = arith.index_cast %get3A_1237 : i32 to index
    %get3A_1239 = arith.constant 192 : index
    %get3A_1240 = tpu.vector_load %arg7[%get3A_1238, %get3A_1239] {strides = array<i32>} : memref<16x256xf32, #tpu.memory_space<vmem>>, vector<16xf32>,
    %swap3A_1241 = arith.constant 3030 : index
    %swap3A_1242 = tpu.vector_load %arg8[%swap3A_1241] {strides = array<i32>} : memref<4128xf32, #tpu.memory_space<vmem>>, vector<16xf32>,
    tpu.vector_store %arg8[%swap3A_1241], %get3A_1240 {strides = array<i32>} : memref<4128xf32, #tpu.memory_space<vmem>>, vector<16xf32>,
    %get3A_1243 = arith.constant 11 : i32
    %get3A_1244 = arith.index_cast %get3A_1243 : i32 to index
    %get3A_1245 = arith.constant 208 : index
    %get3A_1246 = tpu.vector_load %arg7[%get3A_1244, %get3A_1245] {strides = array<i32>} : memref<16x256xf32, #tpu.memory_space<vmem>>, vector<16xf32>,
    %swap3A_1247 = arith.constant 3046 : index
    %swap3A_1248 = tpu.vector_load %arg8[%swap3A_1247] {strides = array<i32>} : memref<4128xf32, #tpu.memory_space<vmem>>, vector<16xf32>,
    tpu.vector_store %arg8[%swap3A_1247], %get3A_1246 {strides = array<i32>} : memref<4128xf32, #tpu.memory_space<vmem>>, vector<16xf32>,
    %get3A_1249 = arith.constant 11 : i32
    %get3A_1250 = arith.index_cast %get3A_1249 : i32 to index
    %get3A_1251 = arith.constant 224 : index
    %get3A_1252 = tpu.vector_load %arg7[%get3A_1250, %get3A_1251] {strides = array<i32>} : memref<16x256xf32, #tpu.memory_space<vmem>>, vector<16xf32>,
    %swap3A_1253 = arith.constant 3062 : index
    %swap3A_1254 = tpu.vector_load %arg8[%swap3A_1253] {strides = array<i32>} : memref<4128xf32, #tpu.memory_space<vmem>>, vector<16xf32>,
    tpu.vector_store %arg8[%swap3A_1253], %get3A_1252 {strides = array<i32>} : memref<4128xf32, #tpu.memory_space<vmem>>, vector<16xf32>,
    %get3A_1255 = arith.constant 11 : i32
    %get3A_1256 = arith.index_cast %get3A_1255 : i32 to index
    %get3A_1257 = arith.constant 240 : index
    %get3A_1258 = tpu.vector_load %arg7[%get3A_1256, %get3A_1257] {strides = array<i32>} : memref<16x256xf32, #tpu.memory_space<vmem>>, vector<16xf32>,
    %swap3A_1259 = arith.constant 3078 : index
    %swap3A_1260 = tpu.vector_load %arg8[%swap3A_1259] {strides = array<i32>} : memref<4128xf32, #tpu.memory_space<vmem>>, vector<16xf32>,
    tpu.vector_store %arg8[%swap3A_1259], %get3A_1258 {strides = array<i32>} : memref<4128xf32, #tpu.memory_space<vmem>>, vector<16xf32>,
    %get3A_1261 = arith.constant 12 : i32
    %get3A_1262 = arith.index_cast %get3A_1261 : i32 to index
    %get3A_1263 = arith.constant 0 : index
    %get3A_1264 = tpu.vector_load %arg7[%get3A_1262, %get3A_1263] {strides = array<i32>} : memref<16x256xf32, #tpu.memory_space<vmem>>, vector<16xf32>,
    %swap3A_1265 = arith.constant 3096 : index
    %swap3A_1266 = tpu.vector_load %arg8[%swap3A_1265] {strides = array<i32>} : memref<4128xf32, #tpu.memory_space<vmem>>, vector<16xf32>,
    tpu.vector_store %arg8[%swap3A_1265], %get3A_1264 {strides = array<i32>} : memref<4128xf32, #tpu.memory_space<vmem>>, vector<16xf32>,
    %get3A_1267 = arith.constant 12 : i32
    %get3A_1268 = arith.index_cast %get3A_1267 : i32 to index
    %get3A_1269 = arith.constant 16 : index
    %get3A_1270 = tpu.vector_load %arg7[%get3A_1268, %get3A_1269] {strides = array<i32>} : memref<16x256xf32, #tpu.memory_space<vmem>>, vector<16xf32>,
    %swap3A_1271 = arith.constant 3112 : index
    %swap3A_1272 = tpu.vector_load %arg8[%swap3A_1271] {strides = array<i32>} : memref<4128xf32, #tpu.memory_space<vmem>>, vector<16xf32>,
    tpu.vector_store %arg8[%swap3A_1271], %get3A_1270 {strides = array<i32>} : memref<4128xf32, #tpu.memory_space<vmem>>, vector<16xf32>,
    %get3A_1273 = arith.constant 12 : i32
    %get3A_1274 = arith.index_cast %get3A_1273 : i32 to index
    %get3A_1275 = arith.constant 32 : index
    %get3A_1276 = tpu.vector_load %arg7[%get3A_1274, %get3A_1275] {strides = array<i32>} : memref<16x256xf32, #tpu.memory_space<vmem>>, vector<16xf32>,
    %swap3A_1277 = arith.constant 3128 : index
    %swap3A_1278 = tpu.vector_load %arg8[%swap3A_1277] {strides = array<i32>} : memref<4128xf32, #tpu.memory_space<vmem>>, vector<16xf32>,
    tpu.vector_store %arg8[%swap3A_1277], %get3A_1276 {strides = array<i32>} : memref<4128xf32, #tpu.memory_space<vmem>>, vector<16xf32>,
    %get3A_1279 = arith.constant 12 : i32
    %get3A_1280 = arith.index_cast %get3A_1279 : i32 to index
    %get3A_1281 = arith.constant 48 : index
    %get3A_1282 = tpu.vector_load %arg7[%get3A_1280, %get3A_1281] {strides = array<i32>} : memref<16x256xf32, #tpu.memory_space<vmem>>, vector<16xf32>,
    %swap3A_1283 = arith.constant 3144 : index
    %swap3A_1284 = tpu.vector_load %arg8[%swap3A_1283] {strides = array<i32>} : memref<4128xf32, #tpu.memory_space<vmem>>, vector<16xf32>,
    tpu.vector_store %arg8[%swap3A_1283], %get3A_1282 {strides = array<i32>} : memref<4128xf32, #tpu.memory_space<vmem>>, vector<16xf32>,
    %get3A_1285 = arith.constant 12 : i32
    %get3A_1286 = arith.index_cast %get3A_1285 : i32 to index
    %get3A_1287 = arith.constant 64 : index
    %get3A_1288 = tpu.vector_load %arg7[%get3A_1286, %get3A_1287] {strides = array<i32>} : memref<16x256xf32, #tpu.memory_space<vmem>>, vector<16xf32>,
    %swap3A_1289 = arith.constant 3160 : index
    %swap3A_1290 = tpu.vector_load %arg8[%swap3A_1289] {strides = array<i32>} : memref<4128xf32, #tpu.memory_space<vmem>>, vector<16xf32>,
    tpu.vector_store %arg8[%swap3A_1289], %get3A_1288 {strides = array<i32>} : memref<4128xf32, #tpu.memory_space<vmem>>, vector<16xf32>,
    %get3A_1291 = arith.constant 12 : i32
    %get3A_1292 = arith.index_cast %get3A_1291 : i32 to index
    %get3A_1293 = arith.constant 80 : index
    %get3A_1294 = tpu.vector_load %arg7[%get3A_1292, %get3A_1293] {strides = array<i32>} : memref<16x256xf32, #tpu.memory_space<vmem>>, vector<16xf32>,
    %swap3A_1295 = arith.constant 3176 : index
    %swap3A_1296 = tpu.vector_load %arg8[%swap3A_1295] {strides = array<i32>} : memref<4128xf32, #tpu.memory_space<vmem>>, vector<16xf32>,
    tpu.vector_store %arg8[%swap3A_1295], %get3A_1294 {strides = array<i32>} : memref<4128xf32, #tpu.memory_space<vmem>>, vector<16xf32>,
    %get3A_1297 = arith.constant 12 : i32
    %get3A_1298 = arith.index_cast %get3A_1297 : i32 to index
    %get3A_1299 = arith.constant 96 : index
    %get3A_1300 = tpu.vector_load %arg7[%get3A_1298, %get3A_1299] {strides = array<i32>} : memref<16x256xf32, #tpu.memory_space<vmem>>, vector<16xf32>,
    %swap3A_1301 = arith.constant 3192 : index
    %swap3A_1302 = tpu.vector_load %arg8[%swap3A_1301] {strides = array<i32>} : memref<4128xf32, #tpu.memory_space<vmem>>, vector<16xf32>,
    tpu.vector_store %arg8[%swap3A_1301], %get3A_1300 {strides = array<i32>} : memref<4128xf32, #tpu.memory_space<vmem>>, vector<16xf32>,
    %get3A_1303 = arith.constant 12 : i32
    %get3A_1304 = arith.index_cast %get3A_1303 : i32 to index
    %get3A_1305 = arith.constant 112 : index
    %get3A_1306 = tpu.vector_load %arg7[%get3A_1304, %get3A_1305] {strides = array<i32>} : memref<16x256xf32, #tpu.memory_space<vmem>>, vector<16xf32>,
    %swap3A_1307 = arith.constant 3208 : index
    %swap3A_1308 = tpu.vector_load %arg8[%swap3A_1307] {strides = array<i32>} : memref<4128xf32, #tpu.memory_space<vmem>>, vector<16xf32>,
    tpu.vector_store %arg8[%swap3A_1307], %get3A_1306 {strides = array<i32>} : memref<4128xf32, #tpu.memory_space<vmem>>, vector<16xf32>,
    %get3A_1309 = arith.constant 12 : i32
    %get3A_1310 = arith.index_cast %get3A_1309 : i32 to index
    %get3A_1311 = arith.constant 128 : index
    %get3A_1312 = tpu.vector_load %arg7[%get3A_1310, %get3A_1311] {strides = array<i32>} : memref<16x256xf32, #tpu.memory_space<vmem>>, vector<16xf32>,
    %swap3A_1313 = arith.constant 3224 : index
    %swap3A_1314 = tpu.vector_load %arg8[%swap3A_1313] {strides = array<i32>} : memref<4128xf32, #tpu.memory_space<vmem>>, vector<16xf32>,
    tpu.vector_store %arg8[%swap3A_1313], %get3A_1312 {strides = array<i32>} : memref<4128xf32, #tpu.memory_space<vmem>>, vector<16xf32>,
    %get3A_1315 = arith.constant 12 : i32
    %get3A_1316 = arith.index_cast %get3A_1315 : i32 to index
    %get3A_1317 = arith.constant 144 : index
    %get3A_1318 = tpu.vector_load %arg7[%get3A_1316, %get3A_1317] {strides = array<i32>} : memref<16x256xf32, #tpu.memory_space<vmem>>, vector<16xf32>,
    %swap3A_1319 = arith.constant 3240 : index
    %swap3A_1320 = tpu.vector_load %arg8[%swap3A_1319] {strides = array<i32>} : memref<4128xf32, #tpu.memory_space<vmem>>, vector<16xf32>,
    tpu.vector_store %arg8[%swap3A_1319], %get3A_1318 {strides = array<i32>} : memref<4128xf32, #tpu.memory_space<vmem>>, vector<16xf32>,
    %get3A_1321 = arith.constant 12 : i32
    %get3A_1322 = arith.index_cast %get3A_1321 : i32 to index
    %get3A_1323 = arith.constant 160 : index
    %get3A_1324 = tpu.vector_load %arg7[%get3A_1322, %get3A_1323] {strides = array<i32>} : memref<16x256xf32, #tpu.memory_space<vmem>>, vector<16xf32>,
    %swap3A_1325 = arith.constant 3256 : index
    %swap3A_1326 = tpu.vector_load %arg8[%swap3A_1325] {strides = array<i32>} : memref<4128xf32, #tpu.memory_space<vmem>>, vector<16xf32>,
    tpu.vector_store %arg8[%swap3A_1325], %get3A_1324 {strides = array<i32>} : memref<4128xf32, #tpu.memory_space<vmem>>, vector<16xf32>,
    %get3A_1327 = arith.constant 12 : i32
    %get3A_1328 = arith.index_cast %get3A_1327 : i32 to index
    %get3A_1329 = arith.constant 176 : index
    %get3A_1330 = tpu.vector_load %arg7[%get3A_1328, %get3A_1329] {strides = array<i32>} : memref<16x256xf32, #tpu.memory_space<vmem>>, vector<16xf32>,
    %swap3A_1331 = arith.constant 3272 : index
    %swap3A_1332 = tpu.vector_load %arg8[%swap3A_1331] {strides = array<i32>} : memref<4128xf32, #tpu.memory_space<vmem>>, vector<16xf32>,
    tpu.vector_store %arg8[%swap3A_1331], %get3A_1330 {strides = array<i32>} : memref<4128xf32, #tpu.memory_space<vmem>>, vector<16xf32>,
    %get3A_1333 = arith.constant 12 : i32
    %get3A_1334 = arith.index_cast %get3A_1333 : i32 to index
    %get3A_1335 = arith.constant 192 : index
    %get3A_1336 = tpu.vector_load %arg7[%get3A_1334, %get3A_1335] {strides = array<i32>} : memref<16x256xf32, #tpu.memory_space<vmem>>, vector<16xf32>,
    %swap3A_1337 = arith.constant 3288 : index
    %swap3A_1338 = tpu.vector_load %arg8[%swap3A_1337] {strides = array<i32>} : memref<4128xf32, #tpu.memory_space<vmem>>, vector<16xf32>,
    tpu.vector_store %arg8[%swap3A_1337], %get3A_1336 {strides = array<i32>} : memref<4128xf32, #tpu.memory_space<vmem>>, vector<16xf32>,
    %get3A_1339 = arith.constant 12 : i32
    %get3A_1340 = arith.index_cast %get3A_1339 : i32 to index
    %get3A_1341 = arith.constant 208 : index
    %get3A_1342 = tpu.vector_load %arg7[%get3A_1340, %get3A_1341] {strides = array<i32>} : memref<16x256xf32, #tpu.memory_space<vmem>>, vector<16xf32>,
    %swap3A_1343 = arith.constant 3304 : index
    %swap3A_1344 = tpu.vector_load %arg8[%swap3A_1343] {strides = array<i32>} : memref<4128xf32, #tpu.memory_space<vmem>>, vector<16xf32>,
    tpu.vector_store %arg8[%swap3A_1343], %get3A_1342 {strides = array<i32>} : memref<4128xf32, #tpu.memory_space<vmem>>, vector<16xf32>,
    %get3A_1345 = arith.constant 12 : i32
    %get3A_1346 = arith.index_cast %get3A_1345 : i32 to index
    %get3A_1347 = arith.constant 224 : index
    %get3A_1348 = tpu.vector_load %arg7[%get3A_1346, %get3A_1347] {strides = array<i32>} : memref<16x256xf32, #tpu.memory_space<vmem>>, vector<16xf32>,
    %swap3A_1349 = arith.constant 3320 : index
    %swap3A_1350 = tpu.vector_load %arg8[%swap3A_1349] {strides = array<i32>} : memref<4128xf32, #tpu.memory_space<vmem>>, vector<16xf32>,
    tpu.vector_store %arg8[%swap3A_1349], %get3A_1348 {strides = array<i32>} : memref<4128xf32, #tpu.memory_space<vmem>>, vector<16xf32>,
    %get3A_1351 = arith.constant 12 : i32
    %get3A_1352 = arith.index_cast %get3A_1351 : i32 to index
    %get3A_1353 = arith.constant 240 : index
    %get3A_1354 = tpu.vector_load %arg7[%get3A_1352, %get3A_1353] {strides = array<i32>} : memref<16x256xf32, #tpu.memory_space<vmem>>, vector<16xf32>,
    %swap3A_1355 = arith.constant 3336 : index
    %swap3A_1356 = tpu.vector_load %arg8[%swap3A_1355] {strides = array<i32>} : memref<4128xf32, #tpu.memory_space<vmem>>, vector<16xf32>,
    tpu.vector_store %arg8[%swap3A_1355], %get3A_1354 {strides = array<i32>} : memref<4128xf32, #tpu.memory_space<vmem>>, vector<16xf32>,
    %get3A_1357 = arith.constant 13 : i32
    %get3A_1358 = arith.index_cast %get3A_1357 : i32 to index
    %get3A_1359 = arith.constant 0 : index
    %get3A_1360 = tpu.vector_load %arg7[%get3A_1358, %get3A_1359] {strides = array<i32>} : memref<16x256xf32, #tpu.memory_space<vmem>>, vector<16xf32>,
    %swap3A_1361 = arith.constant 3354 : index
    %swap3A_1362 = tpu.vector_load %arg8[%swap3A_1361] {strides = array<i32>} : memref<4128xf32, #tpu.memory_space<vmem>>, vector<16xf32>,
    tpu.vector_store %arg8[%swap3A_1361], %get3A_1360 {strides = array<i32>} : memref<4128xf32, #tpu.memory_space<vmem>>, vector<16xf32>,
    %get3A_1363 = arith.constant 13 : i32
    %get3A_1364 = arith.index_cast %get3A_1363 : i32 to index
    %get3A_1365 = arith.constant 16 : index
    %get3A_1366 = tpu.vector_load %arg7[%get3A_1364, %get3A_1365] {strides = array<i32>} : memref<16x256xf32, #tpu.memory_space<vmem>>, vector<16xf32>,
    %swap3A_1367 = arith.constant 3370 : index
    %swap3A_1368 = tpu.vector_load %arg8[%swap3A_1367] {strides = array<i32>} : memref<4128xf32, #tpu.memory_space<vmem>>, vector<16xf32>,
    tpu.vector_store %arg8[%swap3A_1367], %get3A_1366 {strides = array<i32>} : memref<4128xf32, #tpu.memory_space<vmem>>, vector<16xf32>,
    %get3A_1369 = arith.constant 13 : i32
    %get3A_1370 = arith.index_cast %get3A_1369 : i32 to index
    %get3A_1371 = arith.constant 32 : index
    %get3A_1372 = tpu.vector_load %arg7[%get3A_1370, %get3A_1371] {strides = array<i32>} : memref<16x256xf32, #tpu.memory_space<vmem>>, vector<16xf32>,
    %swap3A_1373 = arith.constant 3386 : index
    %swap3A_1374 = tpu.vector_load %arg8[%swap3A_1373] {strides = array<i32>} : memref<4128xf32, #tpu.memory_space<vmem>>, vector<16xf32>,
    tpu.vector_store %arg8[%swap3A_1373], %get3A_1372 {strides = array<i32>} : memref<4128xf32, #tpu.memory_space<vmem>>, vector<16xf32>,
    %get3A_1375 = arith.constant 13 : i32
    %get3A_1376 = arith.index_cast %get3A_1375 : i32 to index
    %get3A_1377 = arith.constant 48 : index
    %get3A_1378 = tpu.vector_load %arg7[%get3A_1376, %get3A_1377] {strides = array<i32>} : memref<16x256xf32, #tpu.memory_space<vmem>>, vector<16xf32>,
    %swap3A_1379 = arith.constant 3402 : index
    %swap3A_1380 = tpu.vector_load %arg8[%swap3A_1379] {strides = array<i32>} : memref<4128xf32, #tpu.memory_space<vmem>>, vector<16xf32>,
    tpu.vector_store %arg8[%swap3A_1379], %get3A_1378 {strides = array<i32>} : memref<4128xf32, #tpu.memory_space<vmem>>, vector<16xf32>,
    %get3A_1381 = arith.constant 13 : i32
    %get3A_1382 = arith.index_cast %get3A_1381 : i32 to index
    %get3A_1383 = arith.constant 64 : index
    %get3A_1384 = tpu.vector_load %arg7[%get3A_1382, %get3A_1383] {strides = array<i32>} : memref<16x256xf32, #tpu.memory_space<vmem>>, vector<16xf32>,
    %swap3A_1385 = arith.constant 3418 : index
    %swap3A_1386 = tpu.vector_load %arg8[%swap3A_1385] {strides = array<i32>} : memref<4128xf32, #tpu.memory_space<vmem>>, vector<16xf32>,
    tpu.vector_store %arg8[%swap3A_1385], %get3A_1384 {strides = array<i32>} : memref<4128xf32, #tpu.memory_space<vmem>>, vector<16xf32>,
    %get3A_1387 = arith.constant 13 : i32
    %get3A_1388 = arith.index_cast %get3A_1387 : i32 to index
    %get3A_1389 = arith.constant 80 : index
    %get3A_1390 = tpu.vector_load %arg7[%get3A_1388, %get3A_1389] {strides = array<i32>} : memref<16x256xf32, #tpu.memory_space<vmem>>, vector<16xf32>,
    %swap3A_1391 = arith.constant 3434 : index
    %swap3A_1392 = tpu.vector_load %arg8[%swap3A_1391] {strides = array<i32>} : memref<4128xf32, #tpu.memory_space<vmem>>, vector<16xf32>,
    tpu.vector_store %arg8[%swap3A_1391], %get3A_1390 {strides = array<i32>} : memref<4128xf32, #tpu.memory_space<vmem>>, vector<16xf32>,
    %get3A_1393 = arith.constant 13 : i32
    %get3A_1394 = arith.index_cast %get3A_1393 : i32 to index
    %get3A_1395 = arith.constant 96 : index
    %get3A_1396 = tpu.vector_load %arg7[%get3A_1394, %get3A_1395] {strides = array<i32>} : memref<16x256xf32, #tpu.memory_space<vmem>>, vector<16xf32>,
    %swap3A_1397 = arith.constant 3450 : index
    %swap3A_1398 = tpu.vector_load %arg8[%swap3A_1397] {strides = array<i32>} : memref<4128xf32, #tpu.memory_space<vmem>>, vector<16xf32>,
    tpu.vector_store %arg8[%swap3A_1397], %get3A_1396 {strides = array<i32>} : memref<4128xf32, #tpu.memory_space<vmem>>, vector<16xf32>,
    %get3A_1399 = arith.constant 13 : i32
    %get3A_1400 = arith.index_cast %get3A_1399 : i32 to index
    %get3A_1401 = arith.constant 112 : index
    %get3A_1402 = tpu.vector_load %arg7[%get3A_1400, %get3A_1401] {strides = array<i32>} : memref<16x256xf32, #tpu.memory_space<vmem>>, vector<16xf32>,
    %swap3A_1403 = arith.constant 3466 : index
    %swap3A_1404 = tpu.vector_load %arg8[%swap3A_1403] {strides = array<i32>} : memref<4128xf32, #tpu.memory_space<vmem>>, vector<16xf32>,
    tpu.vector_store %arg8[%swap3A_1403], %get3A_1402 {strides = array<i32>} : memref<4128xf32, #tpu.memory_space<vmem>>, vector<16xf32>,
    %get3A_1405 = arith.constant 13 : i32
    %get3A_1406 = arith.index_cast %get3A_1405 : i32 to index
    %get3A_1407 = arith.constant 128 : index
    %get3A_1408 = tpu.vector_load %arg7[%get3A_1406, %get3A_1407] {strides = array<i32>} : memref<16x256xf32, #tpu.memory_space<vmem>>, vector<16xf32>,
    %swap3A_1409 = arith.constant 3482 : index
    %swap3A_1410 = tpu.vector_load %arg8[%swap3A_1409] {strides = array<i32>} : memref<4128xf32, #tpu.memory_space<vmem>>, vector<16xf32>,
    tpu.vector_store %arg8[%swap3A_1409], %get3A_1408 {strides = array<i32>} : memref<4128xf32, #tpu.memory_space<vmem>>, vector<16xf32>,
    %get3A_1411 = arith.constant 13 : i32
    %get3A_1412 = arith.index_cast %get3A_1411 : i32 to index
    %get3A_1413 = arith.constant 144 : index
    %get3A_1414 = tpu.vector_load %arg7[%get3A_1412, %get3A_1413] {strides = array<i32>} : memref<16x256xf32, #tpu.memory_space<vmem>>, vector<16xf32>,
    %swap3A_1415 = arith.constant 3498 : index
    %swap3A_1416 = tpu.vector_load %arg8[%swap3A_1415] {strides = array<i32>} : memref<4128xf32, #tpu.memory_space<vmem>>, vector<16xf32>,
    tpu.vector_store %arg8[%swap3A_1415], %get3A_1414 {strides = array<i32>} : memref<4128xf32, #tpu.memory_space<vmem>>, vector<16xf32>,
    %get3A_1417 = arith.constant 13 : i32
    %get3A_1418 = arith.index_cast %get3A_1417 : i32 to index
    %get3A_1419 = arith.constant 160 : index
    %get3A_1420 = tpu.vector_load %arg7[%get3A_1418, %get3A_1419] {strides = array<i32>} : memref<16x256xf32, #tpu.memory_space<vmem>>, vector<16xf32>,
    %swap3A_1421 = arith.constant 3514 : index
    %swap3A_1422 = tpu.vector_load %arg8[%swap3A_1421] {strides = array<i32>} : memref<4128xf32, #tpu.memory_space<vmem>>, vector<16xf32>,
    tpu.vector_store %arg8[%swap3A_1421], %get3A_1420 {strides = array<i32>} : memref<4128xf32, #tpu.memory_space<vmem>>, vector<16xf32>,
    %get3A_1423 = arith.constant 13 : i32
    %get3A_1424 = arith.index_cast %get3A_1423 : i32 to index
    %get3A_1425 = arith.constant 176 : index
    %get3A_1426 = tpu.vector_load %arg7[%get3A_1424, %get3A_1425] {strides = array<i32>} : memref<16x256xf32, #tpu.memory_space<vmem>>, vector<16xf32>,
    %swap3A_1427 = arith.constant 3530 : index
    %swap3A_1428 = tpu.vector_load %arg8[%swap3A_1427] {strides = array<i32>} : memref<4128xf32, #tpu.memory_space<vmem>>, vector<16xf32>,
    tpu.vector_store %arg8[%swap3A_1427], %get3A_1426 {strides = array<i32>} : memref<4128xf32, #tpu.memory_space<vmem>>, vector<16xf32>,
    %get3A_1429 = arith.constant 13 : i32
    %get3A_1430 = arith.index_cast %get3A_1429 : i32 to index
    %get3A_1431 = arith.constant 192 : index
    %get3A_1432 = tpu.vector_load %arg7[%get3A_1430, %get3A_1431] {strides = array<i32>} : memref<16x256xf32, #tpu.memory_space<vmem>>, vector<16xf32>,
    %swap3A_1433 = arith.constant 3546 : index
    %swap3A_1434 = tpu.vector_load %arg8[%swap3A_1433] {strides = array<i32>} : memref<4128xf32, #tpu.memory_space<vmem>>, vector<16xf32>,
    tpu.vector_store %arg8[%swap3A_1433], %get3A_1432 {strides = array<i32>} : memref<4128xf32, #tpu.memory_space<vmem>>, vector<16xf32>,
    %get3A_1435 = arith.constant 13 : i32
    %get3A_1436 = arith.index_cast %get3A_1435 : i32 to index
    %get3A_1437 = arith.constant 208 : index
    %get3A_1438 = tpu.vector_load %arg7[%get3A_1436, %get3A_1437] {strides = array<i32>} : memref<16x256xf32, #tpu.memory_space<vmem>>, vector<16xf32>,
    %swap3A_1439 = arith.constant 3562 : index
    %swap3A_1440 = tpu.vector_load %arg8[%swap3A_1439] {strides = array<i32>} : memref<4128xf32, #tpu.memory_space<vmem>>, vector<16xf32>,
    tpu.vector_store %arg8[%swap3A_1439], %get3A_1438 {strides = array<i32>} : memref<4128xf32, #tpu.memory_space<vmem>>, vector<16xf32>,
    %get3A_1441 = arith.constant 13 : i32
    %get3A_1442 = arith.index_cast %get3A_1441 : i32 to index
    %get3A_1443 = arith.constant 224 : index
    %get3A_1444 = tpu.vector_load %arg7[%get3A_1442, %get3A_1443] {strides = array<i32>} : memref<16x256xf32, #tpu.memory_space<vmem>>, vector<16xf32>,
    %swap3A_1445 = arith.constant 3578 : index
    %swap3A_1446 = tpu.vector_load %arg8[%swap3A_1445] {strides = array<i32>} : memref<4128xf32, #tpu.memory_space<vmem>>, vector<16xf32>,
    tpu.vector_store %arg8[%swap3A_1445], %get3A_1444 {strides = array<i32>} : memref<4128xf32, #tpu.memory_space<vmem>>, vector<16xf32>,
    %get3A_1447 = arith.constant 13 : i32
    %get3A_1448 = arith.index_cast %get3A_1447 : i32 to index
    %get3A_1449 = arith.constant 240 : index
    %get3A_1450 = tpu.vector_load %arg7[%get3A_1448, %get3A_1449] {strides = array<i32>} : memref<16x256xf32, #tpu.memory_space<vmem>>, vector<16xf32>,
    %swap3A_1451 = arith.constant 3594 : index
    %swap3A_1452 = tpu.vector_load %arg8[%swap3A_1451] {strides = array<i32>} : memref<4128xf32, #tpu.memory_space<vmem>>, vector<16xf32>,
    tpu.vector_store %arg8[%swap3A_1451], %get3A_1450 {strides = array<i32>} : memref<4128xf32, #tpu.memory_space<vmem>>, vector<16xf32>,
    %get3A_1453 = arith.constant 14 : i32
    %get3A_1454 = arith.index_cast %get3A_1453 : i32 to index
    %get3A_1455 = arith.constant 0 : index
    %get3A_1456 = tpu.vector_load %arg7[%get3A_1454, %get3A_1455] {strides = array<i32>} : memref<16x256xf32, #tpu.memory_space<vmem>>, vector<16xf32>,
    %swap3A_1457 = arith.constant 3612 : index
    %swap3A_1458 = tpu.vector_load %arg8[%swap3A_1457] {strides = array<i32>} : memref<4128xf32, #tpu.memory_space<vmem>>, vector<16xf32>,
    tpu.vector_store %arg8[%swap3A_1457], %get3A_1456 {strides = array<i32>} : memref<4128xf32, #tpu.memory_space<vmem>>, vector<16xf32>,
    %get3A_1459 = arith.constant 14 : i32
    %get3A_1460 = arith.index_cast %get3A_1459 : i32 to index
    %get3A_1461 = arith.constant 16 : index
    %get3A_1462 = tpu.vector_load %arg7[%get3A_1460, %get3A_1461] {strides = array<i32>} : memref<16x256xf32, #tpu.memory_space<vmem>>, vector<16xf32>,
    %swap3A_1463 = arith.constant 3628 : index
    %swap3A_1464 = tpu.vector_load %arg8[%swap3A_1463] {strides = array<i32>} : memref<4128xf32, #tpu.memory_space<vmem>>, vector<16xf32>,
    tpu.vector_store %arg8[%swap3A_1463], %get3A_1462 {strides = array<i32>} : memref<4128xf32, #tpu.memory_space<vmem>>, vector<16xf32>,
    %get3A_1465 = arith.constant 14 : i32
    %get3A_1466 = arith.index_cast %get3A_1465 : i32 to index
    %get3A_1467 = arith.constant 32 : index
    %get3A_1468 = tpu.vector_load %arg7[%get3A_1466, %get3A_1467] {strides = array<i32>} : memref<16x256xf32, #tpu.memory_space<vmem>>, vector<16xf32>,
    %swap3A_1469 = arith.constant 3644 : index
    %swap3A_1470 = tpu.vector_load %arg8[%swap3A_1469] {strides = array<i32>} : memref<4128xf32, #tpu.memory_space<vmem>>, vector<16xf32>,
    tpu.vector_store %arg8[%swap3A_1469], %get3A_1468 {strides = array<i32>} : memref<4128xf32, #tpu.memory_space<vmem>>, vector<16xf32>,
    %get3A_1471 = arith.constant 14 : i32
    %get3A_1472 = arith.index_cast %get3A_1471 : i32 to index
    %get3A_1473 = arith.constant 48 : index
    %get3A_1474 = tpu.vector_load %arg7[%get3A_1472, %get3A_1473] {strides = array<i32>} : memref<16x256xf32, #tpu.memory_space<vmem>>, vector<16xf32>,
    %swap3A_1475 = arith.constant 3660 : index
    %swap3A_1476 = tpu.vector_load %arg8[%swap3A_1475] {strides = array<i32>} : memref<4128xf32, #tpu.memory_space<vmem>>, vector<16xf32>,
    tpu.vector_store %arg8[%swap3A_1475], %get3A_1474 {strides = array<i32>} : memref<4128xf32, #tpu.memory_space<vmem>>, vector<16xf32>,
    %get3A_1477 = arith.constant 14 : i32
    %get3A_1478 = arith.index_cast %get3A_1477 : i32 to index
    %get3A_1479 = arith.constant 64 : index
    %get3A_1480 = tpu.vector_load %arg7[%get3A_1478, %get3A_1479] {strides = array<i32>} : memref<16x256xf32, #tpu.memory_space<vmem>>, vector<16xf32>,
    %swap3A_1481 = arith.constant 3676 : index
    %swap3A_1482 = tpu.vector_load %arg8[%swap3A_1481] {strides = array<i32>} : memref<4128xf32, #tpu.memory_space<vmem>>, vector<16xf32>,
    tpu.vector_store %arg8[%swap3A_1481], %get3A_1480 {strides = array<i32>} : memref<4128xf32, #tpu.memory_space<vmem>>, vector<16xf32>,
    %get3A_1483 = arith.constant 14 : i32
    %get3A_1484 = arith.index_cast %get3A_1483 : i32 to index
    %get3A_1485 = arith.constant 80 : index
    %get3A_1486 = tpu.vector_load %arg7[%get3A_1484, %get3A_1485] {strides = array<i32>} : memref<16x256xf32, #tpu.memory_space<vmem>>, vector<16xf32>,
    %swap3A_1487 = arith.constant 3692 : index
    %swap3A_1488 = tpu.vector_load %arg8[%swap3A_1487] {strides = array<i32>} : memref<4128xf32, #tpu.memory_space<vmem>>, vector<16xf32>,
    tpu.vector_store %arg8[%swap3A_1487], %get3A_1486 {strides = array<i32>} : memref<4128xf32, #tpu.memory_space<vmem>>, vector<16xf32>,
    %get3A_1489 = arith.constant 14 : i32
    %get3A_1490 = arith.index_cast %get3A_1489 : i32 to index
    %get3A_1491 = arith.constant 96 : index
    %get3A_1492 = tpu.vector_load %arg7[%get3A_1490, %get3A_1491] {strides = array<i32>} : memref<16x256xf32, #tpu.memory_space<vmem>>, vector<16xf32>,
    %swap3A_1493 = arith.constant 3708 : index
    %swap3A_1494 = tpu.vector_load %arg8[%swap3A_1493] {strides = array<i32>} : memref<4128xf32, #tpu.memory_space<vmem>>, vector<16xf32>,
    tpu.vector_store %arg8[%swap3A_1493], %get3A_1492 {strides = array<i32>} : memref<4128xf32, #tpu.memory_space<vmem>>, vector<16xf32>,
    %get3A_1495 = arith.constant 14 : i32
    %get3A_1496 = arith.index_cast %get3A_1495 : i32 to index
    %get3A_1497 = arith.constant 112 : index
    %get3A_1498 = tpu.vector_load %arg7[%get3A_1496, %get3A_1497] {strides = array<i32>} : memref<16x256xf32, #tpu.memory_space<vmem>>, vector<16xf32>,
    %swap3A_1499 = arith.constant 3724 : index
    %swap3A_1500 = tpu.vector_load %arg8[%swap3A_1499] {strides = array<i32>} : memref<4128xf32, #tpu.memory_space<vmem>>, vector<16xf32>,
    tpu.vector_store %arg8[%swap3A_1499], %get3A_1498 {strides = array<i32>} : memref<4128xf32, #tpu.memory_space<vmem>>, vector<16xf32>,
    %get3A_1501 = arith.constant 14 : i32
    %get3A_1502 = arith.index_cast %get3A_1501 : i32 to index
    %get3A_1503 = arith.constant 128 : index
    %get3A_1504 = tpu.vector_load %arg7[%get3A_1502, %get3A_1503] {strides = array<i32>} : memref<16x256xf32, #tpu.memory_space<vmem>>, vector<16xf32>,
    %swap3A_1505 = arith.constant 3740 : index
    %swap3A_1506 = tpu.vector_load %arg8[%swap3A_1505] {strides = array<i32>} : memref<4128xf32, #tpu.memory_space<vmem>>, vector<16xf32>,
    tpu.vector_store %arg8[%swap3A_1505], %get3A_1504 {strides = array<i32>} : memref<4128xf32, #tpu.memory_space<vmem>>, vector<16xf32>,
    %get3A_1507 = arith.constant 14 : i32
    %get3A_1508 = arith.index_cast %get3A_1507 : i32 to index
    %get3A_1509 = arith.constant 144 : index
    %get3A_1510 = tpu.vector_load %arg7[%get3A_1508, %get3A_1509] {strides = array<i32>} : memref<16x256xf32, #tpu.memory_space<vmem>>, vector<16xf32>,
    %swap3A_1511 = arith.constant 3756 : index
    %swap3A_1512 = tpu.vector_load %arg8[%swap3A_1511] {strides = array<i32>} : memref<4128xf32, #tpu.memory_space<vmem>>, vector<16xf32>,
    tpu.vector_store %arg8[%swap3A_1511], %get3A_1510 {strides = array<i32>} : memref<4128xf32, #tpu.memory_space<vmem>>, vector<16xf32>,
    %get3A_1513 = arith.constant 14 : i32
    %get3A_1514 = arith.index_cast %get3A_1513 : i32 to index
    %get3A_1515 = arith.constant 160 : index
    %get3A_1516 = tpu.vector_load %arg7[%get3A_1514, %get3A_1515] {strides = array<i32>} : memref<16x256xf32, #tpu.memory_space<vmem>>, vector<16xf32>,
    %swap3A_1517 = arith.constant 3772 : index
    %swap3A_1518 = tpu.vector_load %arg8[%swap3A_1517] {strides = array<i32>} : memref<4128xf32, #tpu.memory_space<vmem>>, vector<16xf32>,
    tpu.vector_store %arg8[%swap3A_1517], %get3A_1516 {strides = array<i32>} : memref<4128xf32, #tpu.memory_space<vmem>>, vector<16xf32>,
    %get3A_1519 = arith.constant 14 : i32
    %get3A_1520 = arith.index_cast %get3A_1519 : i32 to index
    %get3A_1521 = arith.constant 176 : index
    %get3A_1522 = tpu.vector_load %arg7[%get3A_1520, %get3A_1521] {strides = array<i32>} : memref<16x256xf32, #tpu.memory_space<vmem>>, vector<16xf32>,
    %swap3A_1523 = arith.constant 3788 : index
    %swap3A_1524 = tpu.vector_load %arg8[%swap3A_1523] {strides = array<i32>} : memref<4128xf32, #tpu.memory_space<vmem>>, vector<16xf32>,
    tpu.vector_store %arg8[%swap3A_1523], %get3A_1522 {strides = array<i32>} : memref<4128xf32, #tpu.memory_space<vmem>>, vector<16xf32>,
    %get3A_1525 = arith.constant 14 : i32
    %get3A_1526 = arith.index_cast %get3A_1525 : i32 to index
    %get3A_1527 = arith.constant 192 : index
    %get3A_1528 = tpu.vector_load %arg7[%get3A_1526, %get3A_1527] {strides = array<i32>} : memref<16x256xf32, #tpu.memory_space<vmem>>, vector<16xf32>,
    %swap3A_1529 = arith.constant 3804 : index
    %swap3A_1530 = tpu.vector_load %arg8[%swap3A_1529] {strides = array<i32>} : memref<4128xf32, #tpu.memory_space<vmem>>, vector<16xf32>,
    tpu.vector_store %arg8[%swap3A_1529], %get3A_1528 {strides = array<i32>} : memref<4128xf32, #tpu.memory_space<vmem>>, vector<16xf32>,
    %get3A_1531 = arith.constant 14 : i32
    %get3A_1532 = arith.index_cast %get3A_1531 : i32 to index
    %get3A_1533 = arith.constant 208 : index
    %get3A_1534 = tpu.vector_load %arg7[%get3A_1532, %get3A_1533] {strides = array<i32>} : memref<16x256xf32, #tpu.memory_space<vmem>>, vector<16xf32>,
    %swap3A_1535 = arith.constant 3820 : index
    %swap3A_1536 = tpu.vector_load %arg8[%swap3A_1535] {strides = array<i32>} : memref<4128xf32, #tpu.memory_space<vmem>>, vector<16xf32>,
    tpu.vector_store %arg8[%swap3A_1535], %get3A_1534 {strides = array<i32>} : memref<4128xf32, #tpu.memory_space<vmem>>, vector<16xf32>,
    %get3A_1537 = arith.constant 14 : i32
    %get3A_1538 = arith.index_cast %get3A_1537 : i32 to index
    %get3A_1539 = arith.constant 224 : index
    %get3A_1540 = tpu.vector_load %arg7[%get3A_1538, %get3A_1539] {strides = array<i32>} : memref<16x256xf32, #tpu.memory_space<vmem>>, vector<16xf32>,
    %swap3A_1541 = arith.constant 3836 : index
    %swap3A_1542 = tpu.vector_load %arg8[%swap3A_1541] {strides = array<i32>} : memref<4128xf32, #tpu.memory_space<vmem>>, vector<16xf32>,
    tpu.vector_store %arg8[%swap3A_1541], %get3A_1540 {strides = array<i32>} : memref<4128xf32, #tpu.memory_space<vmem>>, vector<16xf32>,
    %get3A_1543 = arith.constant 14 : i32
    %get3A_1544 = arith.index_cast %get3A_1543 : i32 to index
    %get3A_1545 = arith.constant 240 : index
    %get3A_1546 = tpu.vector_load %arg7[%get3A_1544, %get3A_1545] {strides = array<i32>} : memref<16x256xf32, #tpu.memory_space<vmem>>, vector<16xf32>,
    %swap3A_1547 = arith.constant 3852 : index
    %swap3A_1548 = tpu.vector_load %arg8[%swap3A_1547] {strides = array<i32>} : memref<4128xf32, #tpu.memory_space<vmem>>, vector<16xf32>,
    tpu.vector_store %arg8[%swap3A_1547], %get3A_1546 {strides = array<i32>} : memref<4128xf32, #tpu.memory_space<vmem>>, vector<16xf32>,
    %get3A_1549 = arith.constant 15 : i32
    %get3A_1550 = arith.index_cast %get3A_1549 : i32 to index
    %get3A_1551 = arith.constant 0 : index
    %get3A_1552 = tpu.vector_load %arg7[%get3A_1550, %get3A_1551] {strides = array<i32>} : memref<16x256xf32, #tpu.memory_space<vmem>>, vector<16xf32>,
    %swap3A_1553 = arith.constant 3870 : index
    %swap3A_1554 = tpu.vector_load %arg8[%swap3A_1553] {strides = array<i32>} : memref<4128xf32, #tpu.memory_space<vmem>>, vector<16xf32>,
    tpu.vector_store %arg8[%swap3A_1553], %get3A_1552 {strides = array<i32>} : memref<4128xf32, #tpu.memory_space<vmem>>, vector<16xf32>,
    %get3A_1555 = arith.constant 15 : i32
    %get3A_1556 = arith.index_cast %get3A_1555 : i32 to index
    %get3A_1557 = arith.constant 16 : index
    %get3A_1558 = tpu.vector_load %arg7[%get3A_1556, %get3A_1557] {strides = array<i32>} : memref<16x256xf32, #tpu.memory_space<vmem>>, vector<16xf32>,
    %swap3A_1559 = arith.constant 3886 : index
    %swap3A_1560 = tpu.vector_load %arg8[%swap3A_1559] {strides = array<i32>} : memref<4128xf32, #tpu.memory_space<vmem>>, vector<16xf32>,
    tpu.vector_store %arg8[%swap3A_1559], %get3A_1558 {strides = array<i32>} : memref<4128xf32, #tpu.memory_space<vmem>>, vector<16xf32>,
    %get3A_1561 = arith.constant 15 : i32
    %get3A_1562 = arith.index_cast %get3A_1561 : i32 to index
    %get3A_1563 = arith.constant 32 : index
    %get3A_1564 = tpu.vector_load %arg7[%get3A_1562, %get3A_1563] {strides = array<i32>} : memref<16x256xf32, #tpu.memory_space<vmem>>, vector<16xf32>,
    %swap3A_1565 = arith.constant 3902 : index
    %swap3A_1566 = tpu.vector_load %arg8[%swap3A_1565] {strides = array<i32>} : memref<4128xf32, #tpu.memory_space<vmem>>, vector<16xf32>,
    tpu.vector_store %arg8[%swap3A_1565], %get3A_1564 {strides = array<i32>} : memref<4128xf32, #tpu.memory_space<vmem>>, vector<16xf32>,
    %get3A_1567 = arith.constant 15 : i32
    %get3A_1568 = arith.index_cast %get3A_1567 : i32 to index
    %get3A_1569 = arith.constant 48 : index
    %get3A_1570 = tpu.vector_load %arg7[%get3A_1568, %get3A_1569] {strides = array<i32>} : memref<16x256xf32, #tpu.memory_space<vmem>>, vector<16xf32>,
    %swap3A_1571 = arith.constant 3918 : index
    %swap3A_1572 = tpu.vector_load %arg8[%swap3A_1571] {strides = array<i32>} : memref<4128xf32, #tpu.memory_space<vmem>>, vector<16xf32>,
    tpu.vector_store %arg8[%swap3A_1571], %get3A_1570 {strides = array<i32>} : memref<4128xf32, #tpu.memory_space<vmem>>, vector<16xf32>,
    %get3A_1573 = arith.constant 15 : i32
    %get3A_1574 = arith.index_cast %get3A_1573 : i32 to index
    %get3A_1575 = arith.constant 64 : index
    %get3A_1576 = tpu.vector_load %arg7[%get3A_1574, %get3A_1575] {strides = array<i32>} : memref<16x256xf32, #tpu.memory_space<vmem>>, vector<16xf32>,
    %swap3A_1577 = arith.constant 3934 : index
    %swap3A_1578 = tpu.vector_load %arg8[%swap3A_1577] {strides = array<i32>} : memref<4128xf32, #tpu.memory_space<vmem>>, vector<16xf32>,
    tpu.vector_store %arg8[%swap3A_1577], %get3A_1576 {strides = array<i32>} : memref<4128xf32, #tpu.memory_space<vmem>>, vector<16xf32>,
    %get3A_1579 = arith.constant 15 : i32
    %get3A_1580 = arith.index_cast %get3A_1579 : i32 to index
    %get3A_1581 = arith.constant 80 : index
    %get3A_1582 = tpu.vector_load %arg7[%get3A_1580, %get3A_1581] {strides = array<i32>} : memref<16x256xf32, #tpu.memory_space<vmem>>, vector<16xf32>,
    %swap3A_1583 = arith.constant 3950 : index
    %swap3A_1584 = tpu.vector_load %arg8[%swap3A_1583] {strides = array<i32>} : memref<4128xf32, #tpu.memory_space<vmem>>, vector<16xf32>,
    tpu.vector_store %arg8[%swap3A_1583], %get3A_1582 {strides = array<i32>} : memref<4128xf32, #tpu.memory_space<vmem>>, vector<16xf32>,
    %get3A_1585 = arith.constant 15 : i32
    %get3A_1586 = arith.index_cast %get3A_1585 : i32 to index
    %get3A_1587 = arith.constant 96 : index
    %get3A_1588 = tpu.vector_load %arg7[%get3A_1586, %get3A_1587] {strides = array<i32>} : memref<16x256xf32, #tpu.memory_space<vmem>>, vector<16xf32>,
    %swap3A_1589 = arith.constant 3966 : index
    %swap3A_1590 = tpu.vector_load %arg8[%swap3A_1589] {strides = array<i32>} : memref<4128xf32, #tpu.memory_space<vmem>>, vector<16xf32>,
    tpu.vector_store %arg8[%swap3A_1589], %get3A_1588 {strides = array<i32>} : memref<4128xf32, #tpu.memory_space<vmem>>, vector<16xf32>,
    %get3A_1591 = arith.constant 15 : i32
    %get3A_1592 = arith.index_cast %get3A_1591 : i32 to index
    %get3A_1593 = arith.constant 112 : index
    %get3A_1594 = tpu.vector_load %arg7[%get3A_1592, %get3A_1593] {strides = array<i32>} : memref<16x256xf32, #tpu.memory_space<vmem>>, vector<16xf32>,
    %swap3A_1595 = arith.constant 3982 : index
    %swap3A_1596 = tpu.vector_load %arg8[%swap3A_1595] {strides = array<i32>} : memref<4128xf32, #tpu.memory_space<vmem>>, vector<16xf32>,
    tpu.vector_store %arg8[%swap3A_1595], %get3A_1594 {strides = array<i32>} : memref<4128xf32, #tpu.memory_space<vmem>>, vector<16xf32>,
    %get3A_1597 = arith.constant 15 : i32
    %get3A_1598 = arith.index_cast %get3A_1597 : i32 to index
    %get3A_1599 = arith.constant 128 : index
    %get3A_1600 = tpu.vector_load %arg7[%get3A_1598, %get3A_1599] {strides = array<i32>} : memref<16x256xf32, #tpu.memory_space<vmem>>, vector<16xf32>,
    %swap3A_1601 = arith.constant 3998 : index
    %swap3A_1602 = tpu.vector_load %arg8[%swap3A_1601] {strides = array<i32>} : memref<4128xf32, #tpu.memory_space<vmem>>, vector<16xf32>,
    tpu.vector_store %arg8[%swap3A_1601], %get3A_1600 {strides = array<i32>} : memref<4128xf32, #tpu.memory_space<vmem>>, vector<16xf32>,
    %get3A_1603 = arith.constant 15 : i32
    %get3A_1604 = arith.index_cast %get3A_1603 : i32 to index
    %get3A_1605 = arith.constant 144 : index
    %get3A_1606 = tpu.vector_load %arg7[%get3A_1604, %get3A_1605] {strides = array<i32>} : memref<16x256xf32, #tpu.memory_space<vmem>>, vector<16xf32>,
    %swap3A_1607 = arith.constant 4014 : index
    %swap3A_1608 = tpu.vector_load %arg8[%swap3A_1607] {strides = array<i32>} : memref<4128xf32, #tpu.memory_space<vmem>>, vector<16xf32>,
    tpu.vector_store %arg8[%swap3A_1607], %get3A_1606 {strides = array<i32>} : memref<4128xf32, #tpu.memory_space<vmem>>, vector<16xf32>,
    %get3A_1609 = arith.constant 15 : i32
    %get3A_1610 = arith.index_cast %get3A_1609 : i32 to index
    %get3A_1611 = arith.constant 160 : index
    %get3A_1612 = tpu.vector_load %arg7[%get3A_1610, %get3A_1611] {strides = array<i32>} : memref<16x256xf32, #tpu.memory_space<vmem>>, vector<16xf32>,
    %swap3A_1613 = arith.constant 4030 : index
    %swap3A_1614 = tpu.vector_load %arg8[%swap3A_1613] {strides = array<i32>} : memref<4128xf32, #tpu.memory_space<vmem>>, vector<16xf32>,
    tpu.vector_store %arg8[%swap3A_1613], %get3A_1612 {strides = array<i32>} : memref<4128xf32, #tpu.memory_space<vmem>>, vector<16xf32>,
    %get3A_1615 = arith.constant 15 : i32
    %get3A_1616 = arith.index_cast %get3A_1615 : i32 to index
    %get3A_1617 = arith.constant 176 : index
    %get3A_1618 = tpu.vector_load %arg7[%get3A_1616, %get3A_1617] {strides = array<i32>} : memref<16x256xf32, #tpu.memory_space<vmem>>, vector<16xf32>,
    %swap3A_1619 = arith.constant 4046 : index
    %swap3A_1620 = tpu.vector_load %arg8[%swap3A_1619] {strides = array<i32>} : memref<4128xf32, #tpu.memory_space<vmem>>, vector<16xf32>,
    tpu.vector_store %arg8[%swap3A_1619], %get3A_1618 {strides = array<i32>} : memref<4128xf32, #tpu.memory_space<vmem>>, vector<16xf32>,
    %get3A_1621 = arith.constant 15 : i32
    %get3A_1622 = arith.index_cast %get3A_1621 : i32 to index
    %get3A_1623 = arith.constant 192 : index
    %get3A_1624 = tpu.vector_load %arg7[%get3A_1622, %get3A_1623] {strides = array<i32>} : memref<16x256xf32, #tpu.memory_space<vmem>>, vector<16xf32>,
    %swap3A_1625 = arith.constant 4062 : index
    %swap3A_1626 = tpu.vector_load %arg8[%swap3A_1625] {strides = array<i32>} : memref<4128xf32, #tpu.memory_space<vmem>>, vector<16xf32>,
    tpu.vector_store %arg8[%swap3A_1625], %get3A_1624 {strides = array<i32>} : memref<4128xf32, #tpu.memory_space<vmem>>, vector<16xf32>,
    %get3A_1627 = arith.constant 15 : i32
    %get3A_1628 = arith.index_cast %get3A_1627 : i32 to index
    %get3A_1629 = arith.constant 208 : index
    %get3A_1630 = tpu.vector_load %arg7[%get3A_1628, %get3A_1629] {strides = array<i32>} : memref<16x256xf32, #tpu.memory_space<vmem>>, vector<16xf32>,
    %swap3A_1631 = arith.constant 4078 : index
    %swap3A_1632 = tpu.vector_load %arg8[%swap3A_1631] {strides = array<i32>} : memref<4128xf32, #tpu.memory_space<vmem>>, vector<16xf32>,
    tpu.vector_store %arg8[%swap3A_1631], %get3A_1630 {strides = array<i32>} : memref<4128xf32, #tpu.memory_space<vmem>>, vector<16xf32>,
    %get3A_1633 = arith.constant 15 : i32
    %get3A_1634 = arith.index_cast %get3A_1633 : i32 to index
    %get3A_1635 = arith.constant 224 : index
    %get3A_1636 = tpu.vector_load %arg7[%get3A_1634, %get3A_1635] {strides = array<i32>} : memref<16x256xf32, #tpu.memory_space<vmem>>, vector<16xf32>,
    %swap3A_1637 = arith.constant 4094 : index
    %swap3A_1638 = tpu.vector_load %arg8[%swap3A_1637] {strides = array<i32>} : memref<4128xf32, #tpu.memory_space<vmem>>, vector<16xf32>,
    tpu.vector_store %arg8[%swap3A_1637], %get3A_1636 {strides = array<i32>} : memref<4128xf32, #tpu.memory_space<vmem>>, vector<16xf32>,
    %get3A_1639 = arith.constant 15 : i32
    %get3A_1640 = arith.index_cast %get3A_1639 : i32 to index
    %get3A_1641 = arith.constant 240 : index
    %get3A_1642 = tpu.vector_load %arg7[%get3A_1640, %get3A_1641] {strides = array<i32>} : memref<16x256xf32, #tpu.memory_space<vmem>>, vector<16xf32>,
    %swap3A_1643 = arith.constant 4110 : index
    %swap3A_1644 = tpu.vector_load %arg8[%swap3A_1643] {strides = array<i32>} : memref<4128xf32, #tpu.memory_space<vmem>>, vector<16xf32>,
    tpu.vector_store %arg8[%swap3A_1643], %get3A_1642 {strides = array<i32>} : memref<4128xf32, #tpu.memory_space<vmem>>, vector<16xf32>,
    %dma_start3A_1645 = arith.constant 2064 : i32
    %dma_start3A_1646 = tpu.memref_slice %arg8[%dma_start3A_1645] : memref<4128xf32, #tpu.memory_space<vmem>> -> memref<2064xf32, #tpu.memory_space<vmem>>
    %dma_start3A_1647 = arith.constant 2064 : i32
    %dma_start3A_1648 = tpu.memref_slice %arg4[%dma_start3A_1647] : memref<4128xf32, #tpu.memory_space<hbm>> -> memref<2064xf32, #tpu.memory_space<hbm>>
    %dma_start3A_1649 = arith.constant 2064 : i32
    %dma_start3A_1650 = tpu.memref_slice %arg4[%dma_start3A_1649] : memref<4128xf32, #tpu.memory_space<hbm>> -> memref<2064xf32, #tpu.memory_space<hbm>>
    %dma_start3A_1651 = arith.constant 2064 : i32
    %dma_start3A_1652 = tpu.memref_slice %arg8[%dma_start3A_1651] : memref<4128xf32, #tpu.memory_space<vmem>> -> memref<2064xf32, #tpu.memory_space<vmem>>
    tpu.enqueue_dma source(%dma_start3A_1652 : memref<2064xf32, #tpu.memory_space<vmem>>) target(%dma_start3A_1650 : memref<2064xf32, #tpu.memory_space<hbm>>) target_semaphore(%arg10 : memref<!tpu.dma_semaphore, #tpu.memory_space<semaphore_mem>>)
    %dma_wait3A_1653 = arith.constant 0 : i32
    %dma_wait3A_1654 = tpu.memref_slice %arg8[%dma_wait3A_1653] : memref<4128xf32, #tpu.memory_space<vmem>> -> memref<2064xf32, #tpu.memory_space<vmem>>
    %dma_wait3A_1655 = arith.constant 0 : i32
    %dma_wait3A_1656 = tpu.memref_slice %arg4[%dma_wait3A_1655] : memref<4128xf32, #tpu.memory_space<hbm>> -> memref<2064xf32, #tpu.memory_space<hbm>>
    %dma_wait3A_1657 = arith.constant 0 : i32
    %dma_wait3A_1658 = tpu.memref_slice %arg4[%dma_wait3A_1657] : memref<4128xf32, #tpu.memory_space<hbm>> -> memref<2064xf32, #tpu.memory_space<hbm>>
    %dma_wait3A_1659 = arith.constant 0 : i32
    %dma_wait3A_1660 = tpu.memref_slice %arg8[%dma_wait3A_1659] : memref<4128xf32, #tpu.memory_space<vmem>> -> memref<2064xf32, #tpu.memory_space<vmem>>
    tpu.wait_dma2 semaphore(%arg9 : memref<!tpu.dma_semaphore, #tpu.memory_space<semaphore_mem>>) src(%dma_wait3A_1660 : memref<2064xf32, #tpu.memory_space<vmem>>) dst(%dma_wait3A_1658 : memref<2064xf32, #tpu.memory_space<hbm>>)
    %dma_wait3A_1661 = arith.constant 2064 : i32
    %dma_wait3A_1662 = tpu.memref_slice %arg8[%dma_wait3A_1661] : memref<4128xf32, #tpu.memory_space<vmem>> -> memref<2064xf32, #tpu.memory_space<vmem>>
    %dma_wait3A_1663 = arith.constant 2064 : i32
    %dma_wait3A_1664 = tpu.memref_slice %arg4[%dma_wait3A_1663] : memref<4128xf32, #tpu.memory_space<hbm>> -> memref<2064xf32, #tpu.memory_space<hbm>>
    %dma_wait3A_1665 = arith.constant 2064 : i32
    %dma_wait3A_1666 = tpu.memref_slice %arg4[%dma_wait3A_1665] : memref<4128xf32, #tpu.memory_space<hbm>> -> memref<2064xf32, #tpu.memory_space<hbm>>
    %dma_wait3A_1667 = arith.constant 2064 : i32
    %dma_wait3A_1668 = tpu.memref_slice %arg8[%dma_wait3A_1667] : memref<4128xf32, #tpu.memory_space<vmem>> -> memref<2064xf32, #tpu.memory_space<vmem>>
    tpu.wait_dma2 semaphore(%arg10 : memref<!tpu.dma_semaphore, #tpu.memory_space<semaphore_mem>>) src(%dma_wait3A_1668 : memref<2064xf32, #tpu.memory_space<vmem>>) dst(%dma_wait3A_1666 : memref<2064xf32, #tpu.memory_space<hbm>>)
    return
  }
}

</mosaic_0001>

<sc_bundles>
// kernel: kernel.3.cloned.1.call-start
scs
__scs_entry_jumppad:
0x0: {  	(pc) =	sbr.rel $0x88, $3  }
0x1: {  	(tag) =	ssettag $0x0;
	lr =	simm.s32 $0x1  }
0x2: {  	[smem:$0x3F9F] =	sst lr;
	_ =	strace $0xD0000000  }
0x3: {  	_ = 	snop  }
0x4: {  	_ = 	snop  }
0x5: {  	_ = 	snop  }
0x6: {  	_ = 	snop  }
0x7: {  	_ = 	snop  }
__scs_overlays_trampoline_lowered:
0x8: {  	[smem:$0x3FAE] =	sst s0  }
0x9: {  	[smem:$0x3FAF] =	sst s1  }
0xa: {  	[smem:$0x3FB0] =	sst s2  }
0xb: {  	[smem:$0x3FB1] =	sst s3  }
0xc: {  	[smem:$0x3FB2] =	sst s4  }
0xd: {  	[smem:$0x3FB3] =	sst s5  }
0xe: {  	[smem:$0x3FB4] =	sst s6  }
0xf: {  	[smem:$0x3FB5] =	sst s7  }
0x10: {  	[smem:$0x3FB6] =	sst s8  }
0x11: {  	[smem:$0x3FB7] =	sst s9;
	s0 =	simm.s32 @!p0 $0x0  }
0x12: {  	s1 =	sld [smem:$0x3F9D];
	s0 =	simm.s32 @p0 $0x1  }
0x13: {  	[smem:$0x3FB8] =	sst s0;
	s0 =	simm.s32 @!p1 $0x0  }
0x14: {  	s2 =	sld [smem:$0x3F9C];
	s0 =	simm.s32 @p1 $0x1  }
0x15: {  	[smem:$0x3FB9] =	sst s0;
	s0 =	simm.s32 @!p2 $0x0  }
0x16: {  	s3 =	sld [smem:$0x3FDB];
	s0 =	simm.s32 @p2 $0x1  }
0x17: {  	s4 =	simm.s32 $0x1BF5;
	[smem:$0x3FBB] =	sst s0  }
0x18: {  	s0 =	sld [smem:$0x3F9E];
	_ =	swait.ge [sflag:s4], $0x0  }
0x19: {  	s7 =	sld [smem:$0x3F9F]  }
0x1a: {  	s8 =	sadd.s32 $0xFFFFE003, lr  }
0x1b: {  	s9 =	sadd.s32 $0xFFFFFEF7, lr;
	s5 =	simm.s32 $0xFFFFFFFF;
	p2 =	slt.u32 s8, $0xFFFFF086  }
0x1c: {  	p1 =	slt.u32 s9, $0xF7A;
	s5 =	simm.s32 @!p2 $0x0  }
0x1d: {  	s5 =	simm.s32 @p1 $0x1;
	p0 =	seq.s32 s7, s2  }
0x1e: {  	s7 =	smul.u32 @!p0 $0xF7A, s2;
	p2 =	seq.s32 @!p0 s5, $0x0  }
0x1f: {  	s9 =	smul.u32 $0xF7A, s1;
	s8 =	simm.s32 @!p0 $0x1BF5;
	p2 =	por !p2, p0  }
0x20: {  	[sflag:s8] =	ssyncset.s32 @!p0 $0xFFFFF086;
	s6 =	sadd.s32 @!p0 s3, s7;
	s7 =	simm.s32 @!p0 $0x108  }
0x21: {  	s3 =	sadd.s32 s3, s9;
	s6 =	sadd.s32 @!p0 $0x88, s6;
	s7 =	simm.s32 @p2 $0x1082  }
0x22: {  	[simem:s7], [sflag:s8] =	dma.local @!p0 [hbm:s6], $0xF7A  }
0x23: {  	s9 =	sor.u32 $0xD0000000, s2;
	s6 =	simm.s32 $0x108;
	_ =	swait.ge @!p0 [sflag:s8], $0x0  }
0x24: {  	s3 =	sadd.s32 $0x88, s3;
	s6 =	simm.s32 @!p1 $0x1082;
	[sflag:s4] =	ssyncset.s32 $0xFFFFF086  }
0x25: {  	[simem:s6], [sflag:s4] =	dma.local [hbm:s3], $0xF7A  }
0x26: {  	[smem:$0x3F9F] =	sst s1;
	(tag) =	ssettag s2;
	_ =	strace s9  }
0x27: {  	s1 =	sld [smem:$0x3FAF]  }
0x28: {  	s2 =	sld [smem:$0x3FB0]  }
0x29: {  	s4 =	sld [smem:$0x3FB2]  }
0x2a: {  	p0 =	seq.s32 s5, $0x0;
	s5 =	sld [smem:$0x3FB3]  }
0x2b: {  	s6 =	sld [smem:$0x3FB4]  }
0x2c: {  	s7 =	sld [smem:$0x3FB5]  }
0x2d: {  	s3 =	simm.s32 $0x108;
	s8 =	sld [smem:$0x3FB6]  }
0x2e: {  	s3 =	simm.s32 @!p0 $0x1082;
	s9 =	sld [smem:$0x3FB7]  }
0x2f: {  	lr =	sadd.s32 s0, s3;
	s0 =	sld [smem:$0x3FAE]  }
0x30: {  	s3 =	sld [smem:$0x3FB1]  }
0x31: {  	[smem:$0x3FBA] =	sst s10  }
0x32: {  	s10 =	sld [smem:$0x3FB8];
	_ =	sdelay $0x3  }
0x33: {  	p0 =	seq.s32 s10, $0x1;
	s10 =	sld [smem:$0x3FBA];
	_ =	sdelay $0x3  }
0x34: {  	[smem:$0x3FBA] =	sst s10  }
0x35: {  	s10 =	sld [smem:$0x3FB9];
	_ =	sdelay $0x3  }
0x36: {  	p1 =	seq.s32 s10, $0x1;
	s10 =	sld [smem:$0x3FBA];
	_ =	sdelay $0x3  }
0x37: {  	[smem:$0x3FBA] =	sst s10  }
0x38: {  	s10 =	sld [smem:$0x3FBB]  }
0x39: {  	_ = 	snop;
	(pc) =	sbr.ind lr, $3  }
0x3a: {  	_ = 	snop  }
0x3b: {  	_ = 	snop  }
0x3c: {  	p2 =	seq.s32 s10, $0x1;
	s10 =	sld [smem:$0x3FBA]  }
0x3d: {  	_ =	shalt  }
0x3e: {  	_ =	shalt  }
0x3f: {  	_ =	shalt  }
0x40: {  	_ =	shalt  }
0x41: {  	_ =	shalt  }
0x42: {  	_ =	shalt  }
0x43: {  	_ =	shalt  }
0x44: {  	_ =	shalt  }
0x45: {  	_ =	shalt  }
0x46: {  	_ =	shalt  }
0x47: {  	_ =	shalt  }
0x48: {  	_ =	shalt  }
0x49: {  	_ =	shalt  }
0x4a: {  	_ =	shalt  }
0x4b: {  	_ =	shalt  }
0x4c: {  	_ =	shalt  }
0x4d: {  	_ =	shalt  }
0x4e: {  	_ =	shalt  }
0x4f: {  	_ =	shalt  }
0x50: {  	_ =	shalt  }
0x51: {  	_ =	shalt  }
0x52: {  	_ =	shalt  }
0x53: {  	_ =	shalt  }
0x54: {  	_ =	shalt  }
0x55: {  	_ =	shalt  }
0x56: {  	_ =	shalt  }
0x57: {  	_ =	shalt  }
0x58: {  	_ =	shalt  }
0x59: {  	_ =	shalt  }
0x5a: {  	_ =	shalt  }
0x5b: {  	_ =	shalt  }
0x5c: {  	_ =	shalt  }
0x5d: {  	_ =	shalt  }
0x5e: {  	_ =	shalt  }
0x5f: {  	_ =	shalt  }
0x60: {  	_ =	shalt  }
0x61: {  	_ =	shalt  }
0x62: {  	_ =	shalt  }
0x63: {  	_ =	shalt  }
0x64: {  	_ =	shalt  }
0x65: {  	_ =	shalt  }
0x66: {  	_ =	shalt  }
0x67: {  	_ =	shalt  }
0x68: {  	_ =	shalt  }
0x69: {  	_ =	shalt  }
0x6a: {  	_ =	shalt  }
0x6b: {  	_ =	shalt  }
0x6c: {  	_ =	shalt  }
0x6d: {  	_ =	shalt  }
0x6e: {  	_ =	shalt  }
0x6f: {  	_ =	shalt  }
0x70: {  	_ =	shalt  }
0x71: {  	_ =	shalt  }
0x72: {  	_ =	shalt  }
0x73: {  	_ =	shalt  }
0x74: {  	_ =	shalt  }
0x75: {  	_ =	shalt  }
0x76: {  	_ =	shalt  }
0x77: {  	_ =	shalt  }
0x78: {  	_ =	shalt  }
0x79: {  	_ =	shalt  }
0x7a: {  	_ =	shalt  }
0x7b: {  	_ =	shalt  }
0x7c: {  	_ =	shalt  }
0x7d: {  	_ =	shalt  }
0x7e: {  	_ =	shalt  }
0x7f: {  	_ =	shalt  }
0x80: {  	_ =	shalt  }
0x81: {  	_ =	shalt  }
0x82: {  	_ =	shalt  }
0x83: {  	_ =	shalt  }
0x84: {  	_ =	shalt  }
0x85: {  	_ =	shalt  }
0x86: {  	_ =	shalt  }
0x87: {  	_ =	shalt  }
.Lfunc_end0:
.L_simem_size_0:
called_computation_lowered:
.L_overlay_start_0:
0x88: {  	s0 =	sld [smem:$0x3FD9]  }
0x89: {  	s1 =	sld [smem:$0x3FFE];
	_ =	sdelay $0x3  }
0x8a: {  	s0 =	sadd.s32 s1, s0  }
0x8b: {  	[smem:$0x3FC6] =	sst s0  }
0x8c: {  	_ = 	snop  }
0x8d: {  	s0 =	sld [smem:$0x3FC9]  }
0x8e: {  	s16 =	sld [smem:$0x3FC8];
	(tm) =	ssettm $0x1  }
0x8f: {  	s2 =	sld [smem:$0x3FFB];
	_ =	sdelay $0x3  }
0x90: {  	_ =	strace s2  }
0x91: {  	s2 =	sld [smem:$0x3FFC];
	_ =	sdelay $0x3  }
0x92: {  	_ =	strace s2  }
0x93: {  	s2 =	sld [smem:$0x3FFD];
	_ =	sdelay $0x3  }
0x94: {  	_ =	strace s2  }
0x95: {  	_ =	strace $0x8FFFFFFF  }
0x96: {  	s17 =	sld [smem:$0x3FDB];
	_ =	sdelay $0x1  }
0x97: {  	s3 =	simm.s32 $_scs_section_size  }
0x98: {  	s4 =	simm.s32 $_size__tile_overlayer_lowered;
	s5 =	simm.s32 $_tile_overlayer_lowered  }
0x99: {  	s20 =	simm.s32 $0x1BFF;
	s19 =	sshll.u32 s5, $0x1;
	s2 =	sadd.s32 s3, s17  }
0x9a: {  	s6 =	simm.s32 $0x0;
	s18 =	sshll.u32 s4, $0x1;
	s4 =	sadd.s32 s19, s2  }
0x9b: {  	[timem:s6], [sflag:s20] =	dma.local [hbm:s4], s18  }
0x9c: {  	_ =	swait.ge [sflag:s20], s18  }
0x9d: {  	s3 =	ssub.s32 $0x0, s18;
	[sflag:s20] =	ssyncset.done $0x0  }
0x9e: {  	[sflag:s20] =	ssyncadd.s32 s3;
	_ =	sdelay $0x1  }
0x9f: {  	s21 =	simm.s32 $0x1B8B  }
0xa0: {  	_ =	swait.ge [sflag:s21], $0x1  }
0xa1: {  	[sflag:s21] =	ssyncset.done $0x0  }
0xa2: {  	s23 =	simm.s32 $0x1B8E;
	s22 =	sld [smem:$0x3FFE];
	[sflag:s21] =	ssyncadd.s32 $0xFFFFFFFF  }
0xa3: {  	s24 =	simm.s32 $execute0_lowered;
	[smem:$0x3FD2] =	sst s23  }
0xa4: {  	s4 =	sshll.u32 s24, $0x1;
	_ =	strace $0x80000046;
	[dreg:$0x1] =	wrdreg $0xFFFFFFFF  }
0xa5: {  	s25 =	simm.s32 $_size_execute0_lowered;
	s2 =	sadd.s32 s2, s4;
	[dreg:$0x0] =	wrdreg $0x0  }
0xa6: {  	s4 =	sshll.u32 s25, $0x1;
	[dreg:$0x2] =	wrdreg s2  }
0xa7: {  	[dreg:$0x3] =	wrdreg s4  }
0xa8: {  	[dreg:$0x4] =	wrdreg $0xC0  }
0xa9: {  	_ =	task [dreg:s6], $0x5FFFF  }
0xaa: {  	[dreg:$0x1] =	wrdreg $0xFFFFFFFF  }
0xab: {  	[dreg:$0x0] =	wrdreg $0x60  }
0xac: {  	[dreg:$0x2] =	wrdreg s0  }
0xad: {  	[dreg:$0x3] =	wrdreg s16  }
0xae: {  	[dreg:$0x4] =	wrdreg s22  }
0xaf: {  	[dreg:$0x5] =	wrdreg $0x9  }
0xb0: {  	_ =	task.clear_ibuf [dreg:s6], $0x6FFFF;
	_ =	strace $0x90000046  }
0xb1: {  	s26 =	simm.s32 $0x9;
	_ =	strace $0x80000048  }
0xb2: {  	_ =	swait.ge [sflag:s26], $0x1  }
0xb3: {  	[sflag:s26] =	ssyncadd.s32 $0xFFFFFFFF  }
0xb4: {  	_ =	strace $0x90000048  }
0xb5: {  	_ =	sfence  }
0xb6: {  	s28 =	sld [smem:$0x0];
	_ =	sdelay $0x1  }
0xb7: {  	s29 =	srdreg.scid  }
0xb8: {  	s30 =	sshll.u32 s29, $0xD;
	s31 =	sshrl.u32 s29, $0x2  }
0xb9: {  	s1 =	sand.u32 $0x1, s29;
	s2 =	sand.u32 $0x4000, s30;
	s0 =	sadd.s32 s31, s28  }
0xba: {  	s1 =	sor.u32 s2, s1;
	s0 =	sshll.u32 s0, $0x11  }
0xbb: {  	s0 =	sor.u32 s0, s1  }
0xbc: {  	s0 =	sadd.s32 $0x8F2B, s0  }
0xbd: {  	[sflag:s0] =	ssyncadd.remote.s32 $0x1  }
0xbe: {  	_ =	sfence.sel $0xFFFF  }
0xbf: {  	[dreg:$0x0] =	wrdreg $0xFFFFFFFF;
	(pc) =	sbr.abs _section_cstart, $3  }
0xc0: {  	[dreg:$0x1] =	wrdreg $0xFFFFFFFF  }
0xc1: {  	_ =	task.clear_ibuf [dreg:s6], $0x2FFFF;
	_ =	strace $0x9FFFFFFF  }
0xc2: {  	(tm) =	ssettm $0x7FFFFFFF  }
0xc3: {  	_ =	shalt  }
tec
execute0_lowered:
.L_overlay_start_1:
0x0: {  	(tag) =	ssettag $0x1  }
0x1: {  	s5 =	stileid.u32  }
0x2: {  	p0 =	sne.s32 s5, $0x0  }
.Ltmp0:
0x3: {  	s2 =	rddreg [dreg:$0x0];
	(pc) =	sbr.rel @p0 .LBB2_2-.Ltmp0, $4  }
0x4: {  	s4 =	rddreg [dreg:$0x1]  }
0x5: {  	s3 =	rddreg [dreg:$0x2];
	s1 =	simm.s32 $0x0  }
0x6: {  	[smem:$0x7FF] =	sst s1  }
0x7: {  	s0 =	rddreg [dreg:$0x3];
	_ =	strace $0x80000047  }
0x8: {  	[tilespmem:s1], [sflag:$0x3] =	stream.linear.gather [hbm4b:s4+s1], $0x80, $0x38;
	[tilespmem:$0x2180] =	vst v63  }
0x9: {  	s23 =	simm.s32 $0x3  }
0xa: {  	_ =	swait.ge [sflag:s23], $0x80  }
0xb: {  	[sflag:s23] =	ssyncset.done $0x0  }
0xc: {  	[sflag:s23] =	ssyncadd.s32 $0xFFFFFF80  }
0xd: {  	v0 =	vld [tilespmem:$0x0];
	_ =	sdelay $0x4  }
0xe: {  	v2 =	vcvt.s32.f32 v0;
	_ =	sdelay $0x1  }
0xf: {  	v1 =	vlaneseq.u32;
	v4 =	vand.u32 $0x7FFFFF, v2  }
0x10: {  	v3 =	vmul.u32 $0x1000, v1;
	v4 =	vor.u32 $0x3F800000, v4  }
0x11: {  	v24 =	vadd.f32 $1.000000000e+00, v4  }
0x12: {  	v3 =	vadd.s32 $0xFFFFFFFF, v3  }
0x13: {  	v0 =	vadd.s32 v3, v0;
	(erf) = vrcp.f32 v24  }
0x14: {  	[tilespmem:$0x80] =	vst v0  }
0x15: {  	v0 =	vld.msk [tilespmem:$0x80], $0xff;
	_ =	sdelay $0x4  }
0x16: {  	v25 =	vshll.u32 v0, $0x1  }
0x17: {  	v4 =	vadd.f32 $-1.000000000e+00, v4;
	v0 =	vand.u32 $0x7, v0;
	v3 =	vand.u32 $0xFFFFFFF0, v25  }
0x18: {  	v26 =	vand.u32 $0x7, v1;
	v5 =	vshrl.u32 v1, $0x3;
	v0 =	vor.u32 v0, v3;
	v6 =	vpop (erf)  }
0x19: {  	v5 =	vmul.u32 $0x8, v5;
	v0 =	vperm.xlane v0, v26;
	v4 =	vmul.f32 v6, v4;
	_ =	sdelay $0x1  }
0x1a: {  	v0 =	vadd.s32 v5, v0;
	v6 =	vmul.f32 v4, v4;
	_ =	sdelay $0x1  }
0x1b: {  	v7 =	vmul.f32 $1.111111120e-01, v6;
	_ =	sdelay $0x1  }
0x1c: {  	vm0 =	vmmov $0xffff;
	s24 =	simm.s32 $0x100;
	v27 =	vadd.f32 $1.428571490e-01, v7  }
0x1d: {  	[tilespmem:s24], [sflag:$0x1] =	stream.indirect_vreg.gather [hbm4b:s2+s1], $0x80, v0, vm0, $0xb8;
	[tilespmem:$0x2180] =	vst v63  }
0x1e: {  	v28 =	vld.msk [tilespmem:$0x88], $0xff;
	v0 =	vmul.f32 v27, v6;
	_ =	sdelay $0x1  }
0x1f: {  	v0 =	vadd.f32 $2.000000030e-01, v0;
	_ =	sdelay $0x1  }
0x20: {  	v0 =	vmul.f32 v0, v6  }
0x21: {  	v8 =	vshll.u32 v28, $0x1  }
0x22: {  	v7 =	vand.u32 $0x7, v28;
	v8 =	vand.u32 $0xFFFFFFF0, v8;
	v0 =	vadd.f32 $3.333333430e-01, v0  }
0x23: {  	v29 =	vshrl.u32 v2, $0x17;
	v7 =	vor.u32 v7, v8  }
0x24: {  	v30 =	vand.u32 $0xFF, v29;
	v3 =	vperm.xlane v7, v26;
	v0 =	vmul.f32 v0, v6  }
0x25: {  	v1 =	vmul.u32 $0x102, v1;
	v31 =	vadd.s32 $0xFFFFFF81, v30;
	v4 =	vadd.f32 v4, v4  }
0x26: {  	v3 =	vadd.s32 v5, v3;
	v5 =	vcvt.s32.f32 v31;
	v0 =	vadd.f32 $1.000000000e+00, v0;
	_ =	sdelay $0x1  }
0x27: {  	v32 =	vadd.s32 $0x100, v1;
	v5 =	vmul.f32 $6.931471820e-01, v5;
	v0 =	vmul.f32 v0, v4  }
0x28: {  	v1 =	vadd.s32 $0x101, v1  }
0x29: {  	v0 =	vadd.f32 v0, v5  }
0x2a: {  	s25 =	simm.s32 $0x900;
	s26 =	simm.s32 $0x1100;
	v2 =	vmul.f32 $4.999999890e-03, v2  }
0x2b: {  	[tilespmem:s25], [sflag:$0x2] =	stream.indirect_vreg.gather [hbm4b:s2+s1], $0x80, v3, vm0, $0xb8;
	v0 =	vsub.f32 $5.298317430e+00, v0;
	[tilespmem:$0x2180] =	vst v63  }
0x2c: {  	[tilespmem:v32+s26+$0x0] =	vst.idx.msk $0xffff, v2  }
0x2d: {  	s28 =	simm.s32 $0x1;
	[tilespmem:v1+s26+$0x0] =	vst.idx.msk $0xffff, v0  }
0x2e: {  	_ =	swait.ge [sflag:s28], $0x800  }
0x2f: {  	[sflag:s28] =	ssyncset.done $0x0  }
0x30: {  	[sflag:s28] =	ssyncadd.s32 $0xFFFFF800  }
0x31: {  	v33 =	vld [tilespmem:$0x100]  }
0x32: {  	v34 =	vld [tilespmem:$0x110]  }
0x33: {  	v35 =	vld [tilespmem:$0x120]  }
0x34: {  	v36 =	vld [tilespmem:$0x130]  }
0x35: {  	v37 =	vld [tilespmem:$0x140]  }
0x36: {  	v38 =	vld [tilespmem:$0x150];
	[tilespmem:$0x1100] =	vst v33  }
0x37: {  	v39 =	vld [tilespmem:$0x160];
	[tilespmem:$0x1110] =	vst v34  }
0x38: {  	v40 =	vld [tilespmem:$0x170];
	[tilespmem:$0x1120] =	vst v35  }
0x39: {  	v41 =	vld [tilespmem:$0x500];
	[tilespmem:$0x1130] =	vst v36  }
0x3a: {  	v42 =	vld [tilespmem:$0x510];
	[tilespmem:$0x1140] =	vst v37  }
0x3b: {  	[tilespmem:$0x1150] =	vst v38  }
0x3c: {  	[tilespmem:$0x1160] =	vst v39  }
0x3d: {  	[tilespmem:$0x1170] =	vst v40  }
0x3e: {  	[tilespmem:$0x1180] =	vst v41  }
0x3f: {  	[tilespmem:$0x1190] =	vst v42  }
0x40: {  	v0 =	vld [tilespmem:$0x520]  }
0x41: {  	v43 =	vld [tilespmem:$0x530]  }
0x42: {  	v44 =	vld [tilespmem:$0x540]  }
0x43: {  	v45 =	vld [tilespmem:$0x550]  }
0x44: {  	v46 =	vld [tilespmem:$0x560]  }
0x45: {  	v47 =	vld [tilespmem:$0x570];
	[tilespmem:$0x11A0] =	vst v0  }
0x46: {  	v48 =	vld [tilespmem:$0x180];
	[tilespmem:$0x11B0] =	vst v43  }
0x47: {  	v49 =	vld [tilespmem:$0x190];
	[tilespmem:$0x11C0] =	vst v44  }
0x48: {  	v50 =	vld [tilespmem:$0x1A0];
	[tilespmem:$0x11D0] =	vst v45  }
0x49: {  	v51 =	vld [tilespmem:$0x1B0];
	[tilespmem:$0x11E0] =	vst v46  }
0x4a: {  	v52 =	vld [tilespmem:$0x1C0];
	[tilespmem:$0x11F0] =	vst v47  }
0x4b: {  	v53 =	vld [tilespmem:$0x1D0];
	[tilespmem:$0x1202] =	vst v48  }
0x4c: {  	v54 =	vld [tilespmem:$0x1E0];
	[tilespmem:$0x1212] =	vst v49  }
0x4d: {  	v55 =	vld [tilespmem:$0x1F0];
	[tilespmem:$0x1222] =	vst v50  }
0x4e: {  	v56 =	vld [tilespmem:$0x580];
	[tilespmem:$0x1232] =	vst v51  }
0x4f: {  	v57 =	vld [tilespmem:$0x590];
	[tilespmem:$0x1242] =	vst v52  }
0x50: {  	v58 =	vld [tilespmem:$0x5A0];
	[tilespmem:$0x1252] =	vst v53  }
0x51: {  	v59 =	vld [tilespmem:$0x5B0];
	[tilespmem:$0x1262] =	vst v54  }
0x52: {  	v60 =	vld [tilespmem:$0x5C0];
	[tilespmem:$0x1272] =	vst v55  }
0x53: {  	v61 =	vld [tilespmem:$0x5D0];
	[tilespmem:$0x1282] =	vst v56  }
0x54: {  	v62 =	vld [tilespmem:$0x5E0];
	[tilespmem:$0x1292] =	vst v57  }
0x55: {  	v63 =	vld [tilespmem:$0x5F0];
	[tilespmem:$0x12A2] =	vst v58  }
0x56: {  	v8 =	vld [tilespmem:$0x200];
	[tilespmem:$0x12B2] =	vst v59  }
0x57: {  	v9 =	vld [tilespmem:$0x210];
	[tilespmem:$0x12C2] =	vst v60  }
0x58: {  	v10 =	vld [tilespmem:$0x220];
	[tilespmem:$0x12D2] =	vst v61  }
0x59: {  	v11 =	vld [tilespmem:$0x230];
	[tilespmem:$0x12E2] =	vst v62  }
0x5a: {  	v12 =	vld [tilespmem:$0x240];
	[tilespmem:$0x12F2] =	vst v63  }
0x5b: {  	v13 =	vld [tilespmem:$0x250];
	[tilespmem:$0x1304] =	vst v8  }
0x5c: {  	v14 =	vld [tilespmem:$0x260];
	[tilespmem:$0x1314] =	vst v9  }
0x5d: {  	v15 =	vld [tilespmem:$0x270];
	[tilespmem:$0x1324] =	vst v10  }
0x5e: {  	v16 =	vld [tilespmem:$0x600];
	[tilespmem:$0x1334] =	vst v11  }
0x5f: {  	v17 =	vld [tilespmem:$0x610];
	[tilespmem:$0x1344] =	vst v12  }
0x60: {  	v18 =	vld [tilespmem:$0x620];
	[tilespmem:$0x1354] =	vst v13  }
0x61: {  	v19 =	vld [tilespmem:$0x630];
	[tilespmem:$0x1364] =	vst v14  }
0x62: {  	v20 =	vld [tilespmem:$0x640];
	[tilespmem:$0x1374] =	vst v15  }
0x63: {  	v21 =	vld [tilespmem:$0x650];
	[tilespmem:$0x1384] =	vst v16  }
0x64: {  	v22 =	vld [tilespmem:$0x660];
	[tilespmem:$0x1394] =	vst v17  }
0x65: {  	v23 =	vld [tilespmem:$0x670];
	[tilespmem:$0x13A4] =	vst v18  }
0x66: {  	v24 =	vld [tilespmem:$0x280];
	[tilespmem:$0x13B4] =	vst v19  }
0x67: {  	v25 =	vld [tilespmem:$0x290];
	[tilespmem:$0x13C4] =	vst v20  }
0x68: {  	v26 =	vld [tilespmem:$0x2A0];
	[tilespmem:$0x13D4] =	vst v21  }
0x69: {  	v27 =	vld [tilespmem:$0x2B0];
	[tilespmem:$0x13E4] =	vst v22  }
0x6a: {  	v28 =	vld [tilespmem:$0x2C0];
	[tilespmem:$0x13F4] =	vst v23  }
0x6b: {  	v29 =	vld [tilespmem:$0x2D0];
	[tilespmem:$0x1406] =	vst v24  }
0x6c: {  	v30 =	vld [tilespmem:$0x2E0];
	[tilespmem:$0x1416] =	vst v25  }
0x6d: {  	v31 =	vld [tilespmem:$0x2F0];
	[tilespmem:$0x1426] =	vst v26  }
0x6e: {  	v32 =	vld [tilespmem:$0x680];
	[tilespmem:$0x1436] =	vst v27  }
0x6f: {  	v33 =	vld [tilespmem:$0x690];
	[tilespmem:$0x1446] =	vst v28  }
0x70: {  	v34 =	vld [tilespmem:$0x6A0];
	[tilespmem:$0x1456] =	vst v29  }
0x71: {  	v35 =	vld [tilespmem:$0x6B0];
	[tilespmem:$0x1466] =	vst v30  }
0x72: {  	v36 =	vld [tilespmem:$0x6C0];
	[tilespmem:$0x1476] =	vst v31  }
0x73: {  	v37 =	vld [tilespmem:$0x6D0];
	[tilespmem:$0x1486] =	vst v32  }
0x74: {  	v38 =	vld [tilespmem:$0x6E0];
	[tilespmem:$0x1496] =	vst v33  }
0x75: {  	v39 =	vld [tilespmem:$0x6F0];
	[tilespmem:$0x14A6] =	vst v34  }
0x76: {  	v40 =	vld [tilespmem:$0x300];
	[tilespmem:$0x14B6] =	vst v35  }
0x77: {  	v41 =	vld [tilespmem:$0x310];
	[tilespmem:$0x14C6] =	vst v36  }
0x78: {  	v42 =	vld [tilespmem:$0x320];
	[tilespmem:$0x14D6] =	vst v37  }
0x79: {  	[tilespmem:$0x14E6] =	vst v38;
	v43 =	vld [tilespmem:$0x330]  }
0x7a: {  	[tilespmem:$0x14F6] =	vst v39;
	v44 =	vld [tilespmem:$0x340]  }
0x7b: {  	[tilespmem:$0x1508] =	vst v40;
	v45 =	vld [tilespmem:$0x350]  }
0x7c: {  	[tilespmem:$0x1518] =	vst v41;
	v46 =	vld [tilespmem:$0x360]  }
0x7d: {  	[tilespmem:$0x1528] =	vst v42;
	v47 =	vld [tilespmem:$0x370]  }
0x7e: {  	v48 =	vld [tilespmem:$0x700];
	[tilespmem:$0x1538] =	vst v43  }
0x7f: {  	v49 =	vld [tilespmem:$0x710];
	[tilespmem:$0x1548] =	vst v44  }
0x80: {  	v50 =	vld [tilespmem:$0x720];
	[tilespmem:$0x1558] =	vst v45  }
0x81: {  	v51 =	vld [tilespmem:$0x730];
	[tilespmem:$0x1568] =	vst v46  }
0x82: {  	v52 =	vld [tilespmem:$0x740];
	[tilespmem:$0x1578] =	vst v47  }
0x83: {  	v53 =	vld [tilespmem:$0x750];
	[tilespmem:$0x1588] =	vst v48  }
0x84: {  	v54 =	vld [tilespmem:$0x760];
	[tilespmem:$0x1598] =	vst v49  }
0x85: {  	v55 =	vld [tilespmem:$0x770];
	[tilespmem:$0x15A8] =	vst v50  }
0x86: {  	v56 =	vld [tilespmem:$0x380];
	[tilespmem:$0x15B8] =	vst v51  }
0x87: {  	v57 =	vld [tilespmem:$0x390];
	[tilespmem:$0x15C8] =	vst v52  }
0x88: {  	v58 =	vld [tilespmem:$0x3A0];
	[tilespmem:$0x15D8] =	vst v53  }
0x89: {  	v59 =	vld [tilespmem:$0x3B0];
	[tilespmem:$0x15E8] =	vst v54  }
0x8a: {  	v60 =	vld [tilespmem:$0x3C0];
	[tilespmem:$0x15F8] =	vst v55  }
0x8b: {  	v61 =	vld [tilespmem:$0x3D0];
	[tilespmem:$0x160A] =	vst v56  }
0x8c: {  	v62 =	vld [tilespmem:$0x3E0];
	[tilespmem:$0x161A] =	vst v57  }
0x8d: {  	v63 =	vld [tilespmem:$0x3F0];
	[tilespmem:$0x162A] =	vst v58  }
0x8e: {  	v8 =	vld [tilespmem:$0x780];
	[tilespmem:$0x163A] =	vst v59  }
0x8f: {  	v9 =	vld [tilespmem:$0x790];
	[tilespmem:$0x164A] =	vst v60  }
0x90: {  	v10 =	vld [tilespmem:$0x7A0];
	[tilespmem:$0x165A] =	vst v61  }
0x91: {  	v11 =	vld [tilespmem:$0x7B0];
	[tilespmem:$0x166A] =	vst v62  }
0x92: {  	v12 =	vld [tilespmem:$0x7C0];
	[tilespmem:$0x167A] =	vst v63  }
0x93: {  	v13 =	vld [tilespmem:$0x7D0];
	[tilespmem:$0x168A] =	vst v8  }
0x94: {  	v14 =	vld [tilespmem:$0x7E0];
	[tilespmem:$0x169A] =	vst v9  }
0x95: {  	v15 =	vld [tilespmem:$0x7F0];
	[tilespmem:$0x16AA] =	vst v10  }
0x96: {  	v16 =	vld [tilespmem:$0x400];
	[tilespmem:$0x16BA] =	vst v11  }
0x97: {  	v17 =	vld [tilespmem:$0x410];
	[tilespmem:$0x16CA] =	vst v12  }
0x98: {  	v18 =	vld [tilespmem:$0x420];
	[tilespmem:$0x16DA] =	vst v13  }
0x99: {  	v19 =	vld [tilespmem:$0x430];
	[tilespmem:$0x16EA] =	vst v14  }
0x9a: {  	v20 =	vld [tilespmem:$0x440];
	[tilespmem:$0x16FA] =	vst v15  }
0x9b: {  	v21 =	vld [tilespmem:$0x450];
	[tilespmem:$0x170C] =	vst v16  }
0x9c: {  	v22 =	vld [tilespmem:$0x460];
	[tilespmem:$0x171C] =	vst v17  }
0x9d: {  	v23 =	vld [tilespmem:$0x470];
	[tilespmem:$0x172C] =	vst v18  }
0x9e: {  	v24 =	vld [tilespmem:$0x800];
	[tilespmem:$0x173C] =	vst v19  }
0x9f: {  	v25 =	vld [tilespmem:$0x810];
	[tilespmem:$0x174C] =	vst v20  }
0xa0: {  	v26 =	vld [tilespmem:$0x820];
	[tilespmem:$0x175C] =	vst v21  }
0xa1: {  	v27 =	vld [tilespmem:$0x830];
	[tilespmem:$0x176C] =	vst v22  }
0xa2: {  	v28 =	vld [tilespmem:$0x840];
	[tilespmem:$0x177C] =	vst v23  }
0xa3: {  	v29 =	vld [tilespmem:$0x850];
	[tilespmem:$0x178C] =	vst v24  }
0xa4: {  	v30 =	vld [tilespmem:$0x860];
	[tilespmem:$0x179C] =	vst v25  }
0xa5: {  	v31 =	vld [tilespmem:$0x870];
	[tilespmem:$0x17AC] =	vst v26  }
0xa6: {  	v32 =	vld [tilespmem:$0x480];
	[tilespmem:$0x17BC] =	vst v27  }
0xa7: {  	v33 =	vld [tilespmem:$0x490];
	[tilespmem:$0x17CC] =	vst v28  }
0xa8: {  	v34 =	vld [tilespmem:$0x4A0];
	[tilespmem:$0x17DC] =	vst v29  }
0xa9: {  	v35 =	vld [tilespmem:$0x4B0];
	[tilespmem:$0x17EC] =	vst v30  }
0xaa: {  	v36 =	vld [tilespmem:$0x4C0];
	[tilespmem:$0x17FC] =	vst v31  }
0xab: {  	v37 =	vld [tilespmem:$0x4D0];
	[tilespmem:$0x180E] =	vst v32  }
0xac: {  	v38 =	vld [tilespmem:$0x4E0];
	[tilespmem:$0x181E] =	vst v33  }
0xad: {  	v39 =	vld [tilespmem:$0x4F0];
	[tilespmem:$0x182E] =	vst v34  }
0xae: {  	v40 =	vld [tilespmem:$0x880];
	[tilespmem:$0x183E] =	vst v35  }
0xaf: {  	v41 =	vld [tilespmem:$0x890];
	[tilespmem:$0x184E] =	vst v36  }
0xb0: {  	v42 =	vld [tilespmem:$0x8A0];
	[tilespmem:$0x185E] =	vst v37  }
0xb1: {  	[tilespmem:$0x186E] =	vst v38;
	v43 =	vld [tilespmem:$0x8B0]  }
0xb2: {  	[tilespmem:$0x187E] =	vst v39;
	v44 =	vld [tilespmem:$0x8C0]  }
0xb3: {  	[tilespmem:$0x188E] =	vst v40;
	v45 =	vld [tilespmem:$0x8D0]  }
0xb4: {  	[tilespmem:$0x189E] =	vst v41;
	v46 =	vld [tilespmem:$0x8E0]  }
0xb5: {  	[tilespmem:$0x18AE] =	vst v42;
	v47 =	vld [tilespmem:$0x8F0]  }
0xb6: {  	[tilespmem:$0x18BE] =	vst v43  }
0xb7: {  	[tilespmem:$0x18CE] =	vst v44  }
0xb8: {  	[tilespmem:$0x18DE] =	vst v45  }
0xb9: {  	[tilespmem:$0x18EE] =	vst v46  }
0xba: {  	s5 =	sadd.s32 $0x400, s3;
	s29 =	simm.s32 $0x2;
	[tilespmem:$0x18FE] =	vst v47  }
0xbb: {  	[hbm4b:s5+s1] =	stream.linear.scatter [tilespmem:s26], [sflag:$0x1], $0x810, $0x38;
	[tilespmem:$0x2180] =	vst v63  }
0xbc: {  	_ =	swait.ge [sflag:s29], $0x800  }
0xbd: {  	[sflag:s29] =	ssyncset.done $0x0  }
0xbe: {  	[sflag:s29] =	ssyncadd.s32 $0xFFFFF800  }
0xbf: {  	v48 =	vld [tilespmem:$0x900]  }
0xc0: {  	v49 =	vld [tilespmem:$0x910]  }
0xc1: {  	v50 =	vld [tilespmem:$0x920]  }
0xc2: {  	v51 =	vld [tilespmem:$0x930]  }
0xc3: {  	v52 =	vld [tilespmem:$0x940]  }
0xc4: {  	v53 =	vld [tilespmem:$0x950];
	[tilespmem:$0x1910] =	vst v48  }
0xc5: {  	v54 =	vld [tilespmem:$0x960];
	[tilespmem:$0x1920] =	vst v49  }
0xc6: {  	v55 =	vld [tilespmem:$0x970];
	[tilespmem:$0x1930] =	vst v50  }
0xc7: {  	v56 =	vld [tilespmem:$0xD00];
	[tilespmem:$0x1940] =	vst v51  }
0xc8: {  	v57 =	vld [tilespmem:$0xD10];
	[tilespmem:$0x1950] =	vst v52  }
0xc9: {  	v58 =	vld [tilespmem:$0xD20];
	[tilespmem:$0x1960] =	vst v53  }
0xca: {  	v59 =	vld [tilespmem:$0xD30];
	[tilespmem:$0x1970] =	vst v54  }
0xcb: {  	v60 =	vld [tilespmem:$0xD40];
	[tilespmem:$0x1980] =	vst v55  }
0xcc: {  	v61 =	vld [tilespmem:$0xD50];
	[tilespmem:$0x1990] =	vst v56  }
0xcd: {  	v62 =	vld [tilespmem:$0xD60];
	[tilespmem:$0x19A0] =	vst v57  }
0xce: {  	v63 =	vld [tilespmem:$0xD70];
	[tilespmem:$0x19B0] =	vst v58  }
0xcf: {  	v8 =	vld [tilespmem:$0x980];
	[tilespmem:$0x19C0] =	vst v59  }
0xd0: {  	v9 =	vld [tilespmem:$0x990];
	[tilespmem:$0x19D0] =	vst v60  }
0xd1: {  	v10 =	vld [tilespmem:$0x9A0];
	[tilespmem:$0x19E0] =	vst v61  }
0xd2: {  	v11 =	vld [tilespmem:$0x9B0];
	[tilespmem:$0x19F0] =	vst v62  }
0xd3: {  	v12 =	vld [tilespmem:$0x9C0];
	[tilespmem:$0x1A00] =	vst v63  }
0xd4: {  	v13 =	vld [tilespmem:$0x9D0];
	[tilespmem:$0x1A12] =	vst v8  }
0xd5: {  	v14 =	vld [tilespmem:$0x9E0];
	[tilespmem:$0x1A22] =	vst v9  }
0xd6: {  	v15 =	vld [tilespmem:$0x9F0];
	[tilespmem:$0x1A32] =	vst v10  }
0xd7: {  	v16 =	vld [tilespmem:$0xD80];
	[tilespmem:$0x1A42] =	vst v11  }
0xd8: {  	v17 =	vld [tilespmem:$0xD90];
	[tilespmem:$0x1A52] =	vst v12  }
0xd9: {  	v18 =	vld [tilespmem:$0xDA0];
	[tilespmem:$0x1A62] =	vst v13  }
0xda: {  	v19 =	vld [tilespmem:$0xDB0];
	[tilespmem:$0x1A72] =	vst v14  }
0xdb: {  	v20 =	vld [tilespmem:$0xDC0];
	[tilespmem:$0x1A82] =	vst v15  }
0xdc: {  	v21 =	vld [tilespmem:$0xDD0];
	[tilespmem:$0x1A92] =	vst v16  }
0xdd: {  	v22 =	vld [tilespmem:$0xDE0];
	[tilespmem:$0x1AA2] =	vst v17  }
0xde: {  	v23 =	vld [tilespmem:$0xDF0];
	[tilespmem:$0x1AB2] =	vst v18  }
0xdf: {  	v24 =	vld [tilespmem:$0xA00];
	[tilespmem:$0x1AC2] =	vst v19  }
0xe0: {  	v25 =	vld [tilespmem:$0xA10];
	[tilespmem:$0x1AD2] =	vst v20  }
0xe1: {  	v26 =	vld [tilespmem:$0xA20];
	[tilespmem:$0x1AE2] =	vst v21  }
0xe2: {  	v27 =	vld [tilespmem:$0xA30];
	[tilespmem:$0x1AF2] =	vst v22  }
0xe3: {  	v28 =	vld [tilespmem:$0xA40];
	[tilespmem:$0x1B02] =	vst v23  }
0xe4: {  	v29 =	vld [tilespmem:$0xA50];
	[tilespmem:$0x1B14] =	vst v24  }
0xe5: {  	v30 =	vld [tilespmem:$0xA60];
	[tilespmem:$0x1B24] =	vst v25  }
0xe6: {  	v31 =	vld [tilespmem:$0xA70];
	[tilespmem:$0x1B34] =	vst v26  }
0xe7: {  	v32 =	vld [tilespmem:$0xE00];
	[tilespmem:$0x1B44] =	vst v27  }
0xe8: {  	v33 =	vld [tilespmem:$0xE10];
	[tilespmem:$0x1B54] =	vst v28  }
0xe9: {  	v34 =	vld [tilespmem:$0xE20];
	[tilespmem:$0x1B64] =	vst v29  }
0xea: {  	v35 =	vld [tilespmem:$0xE30];
	[tilespmem:$0x1B74] =	vst v30  }
0xeb: {  	v36 =	vld [tilespmem:$0xE40];
	[tilespmem:$0x1B84] =	vst v31  }
0xec: {  	v37 =	vld [tilespmem:$0xE50];
	[tilespmem:$0x1B94] =	vst v32  }
0xed: {  	v38 =	vld [tilespmem:$0xE60];
	[tilespmem:$0x1BA4] =	vst v33  }
0xee: {  	v39 =	vld [tilespmem:$0xE70];
	[tilespmem:$0x1BB4] =	vst v34  }
0xef: {  	v40 =	vld [tilespmem:$0xA80];
	[tilespmem:$0x1BC4] =	vst v35  }
0xf0: {  	v41 =	vld [tilespmem:$0xA90];
	[tilespmem:$0x1BD4] =	vst v36  }
0xf1: {  	v42 =	vld [tilespmem:$0xAA0];
	[tilespmem:$0x1BE4] =	vst v37  }
0xf2: {  	v43 =	vld [tilespmem:$0xAB0];
	[tilespmem:$0x1BF4] =	vst v38  }
0xf3: {  	v44 =	vld [tilespmem:$0xAC0];
	[tilespmem:$0x1C04] =	vst v39  }
0xf4: {  	v45 =	vld [tilespmem:$0xAD0];
	[tilespmem:$0x1C16] =	vst v40  }
0xf5: {  	v46 =	vld [tilespmem:$0xAE0];
	[tilespmem:$0x1C26] =	vst v41  }
0xf6: {  	v47 =	vld [tilespmem:$0xAF0];
	[tilespmem:$0x1C36] =	vst v42  }
0xf7: {  	[tilespmem:$0x1C46] =	vst v43;
	v48 =	vld [tilespmem:$0xE80]  }
0xf8: {  	[tilespmem:$0x1C56] =	vst v44;
	v49 =	vld [tilespmem:$0xE90]  }
0xf9: {  	[tilespmem:$0x1C66] =	vst v45;
	v50 =	vld [tilespmem:$0xEA0]  }
0xfa: {  	[tilespmem:$0x1C76] =	vst v46;
	v51 =	vld [tilespmem:$0xEB0]  }
0xfb: {  	[tilespmem:$0x1C86] =	vst v47;
	v52 =	vld [tilespmem:$0xEC0]  }
0xfc: {  	v53 =	vld [tilespmem:$0xED0];
	[tilespmem:$0x1C96] =	vst v48  }
0xfd: {  	v54 =	vld [tilespmem:$0xEE0];
	[tilespmem:$0x1CA6] =	vst v49  }
0xfe: {  	v55 =	vld [tilespmem:$0xEF0];
	[tilespmem:$0x1CB6] =	vst v50  }
0xff: {  	v56 =	vld [tilespmem:$0xB00];
	[tilespmem:$0x1CC6] =	vst v51  }
0x100: {  	v57 =	vld [tilespmem:$0xB10];
	[tilespmem:$0x1CD6] =	vst v52  }
0x101: {  	v58 =	vld [tilespmem:$0xB20];
	[tilespmem:$0x1CE6] =	vst v53  }
0x102: {  	v59 =	vld [tilespmem:$0xB30];
	[tilespmem:$0x1CF6] =	vst v54  }
0x103: {  	v60 =	vld [tilespmem:$0xB40];
	[tilespmem:$0x1D06] =	vst v55  }
0x104: {  	v61 =	vld [tilespmem:$0xB50];
	[tilespmem:$0x1D18] =	vst v56  }
0x105: {  	v62 =	vld [tilespmem:$0xB60];
	[tilespmem:$0x1D28] =	vst v57  }
0x106: {  	v63 =	vld [tilespmem:$0xB70];
	[tilespmem:$0x1D38] =	vst v58  }
0x107: {  	v8 =	vld [tilespmem:$0xF00];
	[tilespmem:$0x1D48] =	vst v59  }
0x108: {  	v9 =	vld [tilespmem:$0xF10];
	[tilespmem:$0x1D58] =	vst v60  }
0x109: {  	v10 =	vld [tilespmem:$0xF20];
	[tilespmem:$0x1D68] =	vst v61  }
0x10a: {  	v11 =	vld [tilespmem:$0xF30];
	[tilespmem:$0x1D78] =	vst v62  }
0x10b: {  	v12 =	vld [tilespmem:$0xF40];
	[tilespmem:$0x1D88] =	vst v63  }
0x10c: {  	v13 =	vld [tilespmem:$0xF50];
	[tilespmem:$0x1D98] =	vst v8  }
0x10d: {  	v14 =	vld [tilespmem:$0xF60];
	[tilespmem:$0x1DA8] =	vst v9  }
0x10e: {  	v15 =	vld [tilespmem:$0xF70];
	[tilespmem:$0x1DB8] =	vst v10  }
0x10f: {  	v16 =	vld [tilespmem:$0xB80];
	[tilespmem:$0x1DC8] =	vst v11  }
0x110: {  	v17 =	vld [tilespmem:$0xB90];
	[tilespmem:$0x1DD8] =	vst v12  }
0x111: {  	v18 =	vld [tilespmem:$0xBA0];
	[tilespmem:$0x1DE8] =	vst v13  }
0x112: {  	v19 =	vld [tilespmem:$0xBB0];
	[tilespmem:$0x1DF8] =	vst v14  }
0x113: {  	v20 =	vld [tilespmem:$0xBC0];
	[tilespmem:$0x1E08] =	vst v15  }
0x114: {  	v21 =	vld [tilespmem:$0xBD0];
	[tilespmem:$0x1E1A] =	vst v16  }
0x115: {  	v22 =	vld [tilespmem:$0xBE0];
	[tilespmem:$0x1E2A] =	vst v17  }
0x116: {  	v23 =	vld [tilespmem:$0xBF0];
	[tilespmem:$0x1E3A] =	vst v18  }
0x117: {  	v24 =	vld [tilespmem:$0xF80];
	[tilespmem:$0x1E4A] =	vst v19  }
0x118: {  	v25 =	vld [tilespmem:$0xF90];
	[tilespmem:$0x1E5A] =	vst v20  }
0x119: {  	v26 =	vld [tilespmem:$0xFA0];
	[tilespmem:$0x1E6A] =	vst v21  }
0x11a: {  	v27 =	vld [tilespmem:$0xFB0];
	[tilespmem:$0x1E7A] =	vst v22  }
0x11b: {  	v28 =	vld [tilespmem:$0xFC0];
	[tilespmem:$0x1E8A] =	vst v23  }
0x11c: {  	v29 =	vld [tilespmem:$0xFD0];
	[tilespmem:$0x1E9A] =	vst v24  }
0x11d: {  	v30 =	vld [tilespmem:$0xFE0];
	[tilespmem:$0x1EAA] =	vst v25  }
0x11e: {  	v31 =	vld [tilespmem:$0xFF0];
	[tilespmem:$0x1EBA] =	vst v26  }
0x11f: {  	v32 =	vld [tilespmem:$0xC00];
	[tilespmem:$0x1ECA] =	vst v27  }
0x120: {  	v33 =	vld [tilespmem:$0xC10];
	[tilespmem:$0x1EDA] =	vst v28  }
0x121: {  	v34 =	vld [tilespmem:$0xC20];
	[tilespmem:$0x1EEA] =	vst v29  }
0x122: {  	v35 =	vld [tilespmem:$0xC30];
	[tilespmem:$0x1EFA] =	vst v30  }
0x123: {  	v36 =	vld [tilespmem:$0xC40];
	[tilespmem:$0x1F0A] =	vst v31  }
0x124: {  	v37 =	vld [tilespmem:$0xC50];
	[tilespmem:$0x1F1C] =	vst v32  }
0x125: {  	v38 =	vld [tilespmem:$0xC60];
	[tilespmem:$0x1F2C] =	vst v33  }
0x126: {  	v39 =	vld [tilespmem:$0xC70];
	[tilespmem:$0x1F3C] =	vst v34  }
0x127: {  	v40 =	vld [tilespmem:$0x1000];
	[tilespmem:$0x1F4C] =	vst v35  }
0x128: {  	v41 =	vld [tilespmem:$0x1010];
	[tilespmem:$0x1F5C] =	vst v36  }
0x129: {  	v42 =	vld [tilespmem:$0x1020];
	[tilespmem:$0x1F6C] =	vst v37  }
0x12a: {  	v43 =	vld [tilespmem:$0x1030];
	[tilespmem:$0x1F7C] =	vst v38  }
0x12b: {  	v44 =	vld [tilespmem:$0x1040];
	[tilespmem:$0x1F8C] =	vst v39  }
0x12c: {  	v45 =	vld [tilespmem:$0x1050];
	[tilespmem:$0x1F9C] =	vst v40  }
0x12d: {  	v46 =	vld [tilespmem:$0x1060];
	[tilespmem:$0x1FAC] =	vst v41  }
0x12e: {  	v47 =	vld [tilespmem:$0x1070];
	[tilespmem:$0x1FBC] =	vst v42  }
0x12f: {  	[tilespmem:$0x1FCC] =	vst v43;
	v48 =	vld [tilespmem:$0xC80]  }
0x130: {  	[tilespmem:$0x1FDC] =	vst v44;
	v49 =	vld [tilespmem:$0xC90]  }
0x131: {  	[tilespmem:$0x1FEC] =	vst v45;
	v50 =	vld [tilespmem:$0xCA0]  }
0x132: {  	[tilespmem:$0x1FFC] =	vst v46;
	v51 =	vld [tilespmem:$0xCB0]  }
0x133: {  	[tilespmem:$0x200C] =	vst v47;
	v52 =	vld [tilespmem:$0xCC0]  }
0x134: {  	v53 =	vld [tilespmem:$0xCD0];
	[tilespmem:$0x201E] =	vst v48  }
0x135: {  	v54 =	vld [tilespmem:$0xCE0];
	[tilespmem:$0x202E] =	vst v49  }
0x136: {  	v55 =	vld [tilespmem:$0xCF0];
	[tilespmem:$0x203E] =	vst v50  }
0x137: {  	v56 =	vld [tilespmem:$0x1080];
	[tilespmem:$0x204E] =	vst v51  }
0x138: {  	v57 =	vld [tilespmem:$0x1090];
	[tilespmem:$0x205E] =	vst v52  }
0x139: {  	v58 =	vld [tilespmem:$0x10A0];
	[tilespmem:$0x206E] =	vst v53  }
0x13a: {  	v59 =	vld [tilespmem:$0x10B0];
	[tilespmem:$0x207E] =	vst v54  }
0x13b: {  	v60 =	vld [tilespmem:$0x10C0];
	[tilespmem:$0x208E] =	vst v55  }
0x13c: {  	v61 =	vld [tilespmem:$0x10D0];
	[tilespmem:$0x209E] =	vst v56  }
0x13d: {  	v62 =	vld [tilespmem:$0x10E0];
	[tilespmem:$0x20AE] =	vst v57  }
0x13e: {  	v63 =	vld [tilespmem:$0x10F0];
	[tilespmem:$0x20BE] =	vst v58  }
0x13f: {  	[tilespmem:$0x20CE] =	vst v59  }
0x140: {  	[tilespmem:$0x20DE] =	vst v60  }
0x141: {  	[tilespmem:$0x20EE] =	vst v61  }
0x142: {  	[tilespmem:$0x20FE] =	vst v62  }
0x143: {  	s31 =	simm.s32 $0x1910;
	s30 =	sadd.s32 $0x102, s5;
	[tilespmem:$0x210E] =	vst v63  }
0x144: {  	[hbm4b:s30+s1] =	stream.linear.scatter [tilespmem:s31], [sflag:$0x2], $0x810, $0x38;
	[tilespmem:$0x2180] =	vst v63  }
0x145: {  	_ =	swait.ge [sflag:s28], $0x810  }
0x146: {  	[sflag:s28] =	ssyncset.done $0x0  }
0x147: {  	[sflag:s28] =	ssyncadd.s32 $0xFFFFF7F0  }
0x148: {  	_ =	swait.ge [sflag:s29], $0x810  }
0x149: {  	[sflag:s29] =	ssyncset.done $0x0  }
0x14a: {  	[sflag:s29] =	ssyncadd.s32 $0xFFFFF7F0  }
.LBB2_2:
0x14b: {  	_ =	sfence.sel $0x180000  }
0x14c: {  	[bflag:$0x0] =	sbarrier.arrive $0xFFFF  }
0x14d: {  	_ =	strace $0x90000047  }
0x14e: {  	s0 =	sadd.s32 @!p0 $0x100000, s0;
	[bflag:$0x2] =	sbarrier.arrive $0xFFFF  }
0x14f: {  	[sflag:s0] =	ssyncadd.tile.s32 @!p0 $0x1;
	_ =	shalt  }
.Lfunc_end2:
_tile_overlayer_lowered:
.L_overlay_start_2:
0x150: {  	(tag) =	ssettag $0x2  }
0x151: {  	s0 =	rddreg [dreg:$0x0];
	s2 =	stileid.u32  }
0x152: {  	s1 =	rddreg [dreg:$0x1];
	p0 =	sne.s32 s2, $0x0  }
0x153: {  	s3 =	rddreg [dreg:$0x2];
	[bflag:$0x3] =	sbarrier.arrive $0xFFFF;
	s2 =	simm.s32 @!p0 $0x1C03  }
0x154: {  	[timem:s3], [sflag:s2] =	dma.local @!p0 [hbm:s0], s1  }
0x155: {  	s0 =	simm.s32 @!p0 $0x3  }
0x156: {  	_ =	swait.ge @!p0 [sflag:s0], s1  }
0x157: {  	s1 =	ssub.s32 @!p0 $0x0, s1;
	[sflag:s0] =	ssyncset.done @!p0 $0x0  }
0x158: {  	[sflag:s0] =	ssyncadd.s32 @!p0 s1  }
0x159: {  	[bflag:$0x3] =	sbarrier.arrive $0xFFFF  }
0x15a: {  	_ =	shalt  }

</sc_bundles>
